<compile_context>
chip_gen: v7x
topology: tpu7x:2x2x1
jax: 0.10.2.dev20260603
libtpu: 0.0.44.dev20260713+nightly
codegen_flags: <defaults>
</compile_context>

<pallas_src>
import functools

import jax
import jax.numpy as jnp
from jax import lax
from jax.experimental import pallas as pl
from jax.experimental.pallas import tpu as pltpu
from jax.experimental.pallas import tpu_sc as plsc

_LANES = 16


def _build_consts(thresholds):
    F, T = thresholds.shape
    d = jnp.diff(thresholds, axis=1)
    d = jnp.concatenate([-d[:, :1], d, d[:, -1:]], axis=1)
    th_full = jnp.concatenate([thresholds[:, :1], thresholds], axis=1)
    tr = th_full + d / 2.0
    pad = jnp.full((F, _LANES - T), jnp.inf, jnp.float32)
    pad1 = jnp.full((F, _LANES - T + 1), jnp.inf, jnp.float32)
    th_shift = jnp.concatenate([thresholds[:, 1:], pad1], axis=1)
    return jnp.concatenate([thresholds, pad, th_shift, tr], axis=1)


@functools.partial(jax.jit, static_argnames=("cols_per_w", "chunk"))
def _run(xt, consts, cols_per_w, chunk):
    F, B = xt.shape
    n_chunks = cols_per_w // chunk
    w_per_f = B // cols_per_w
    mesh = plsc.VectorSubcoreMesh(core_axis_name="c", subcore_axis_name="s")

    @functools.partial(
        pl.kernel,
        mesh=mesh,
        out_type=jax.ShapeDtypeStruct((F, B), jnp.float32),
        compiler_params=pltpu.CompilerParams(needs_layout_passes=False, skip_device_barrier=True),
        scratch_types=[
            pltpu.VMEM((_LANES,), jnp.float32),
            pltpu.VMEM((_LANES,), jnp.float32),
            pltpu.VMEM((_LANES,), jnp.float32),
            pltpu.VMEM((chunk,), jnp.float32),
            pltpu.VMEM((chunk,), jnp.float32),
            pltpu.VMEM((chunk,), jnp.float32),
            pltpu.VMEM((chunk,), jnp.float32),
            pltpu.SemaphoreType.DMA,
            pltpu.SemaphoreType.DMA,
            pltpu.SemaphoreType.DMA,
            pltpu.SemaphoreType.DMA,
        ],
    )
    def run(x_hbm, c_hbm, out_hbm, th_v, ts_v, tr_v,
            xb0, xb1, ob0, ob1, si0, si1, so0, so1):
        wid = lax.axis_index("s") * 2 + lax.axis_index("c")
        f = wid // w_per_f
        col0 = (wid % w_per_f) * cols_per_w
        pltpu.sync_copy(c_hbm.at[f, pl.ds(0, _LANES)], th_v)
        pltpu.sync_copy(c_hbm.at[f, pl.ds(_LANES, _LANES)], ts_v)
        pltpu.sync_copy(c_hbm.at[f, pl.ds(2 * _LANES, _LANES)], tr_v)
        thv = th_v[...]
        th7, th3, th11 = thv[7], thv[3], thv[11]

        def compute(xbuf, obuf):
            @plsc.parallel_loop(0, chunk // _LANES, 1, unroll=4)
            def vec_body(r):
                xv = xbuf[pl.ds(r * _LANES, _LANES)]
                m0 = xv > th7
                enc = jnp.where(m0, jnp.int32(8), jnp.int32(0))
                pv = jnp.where(m0, th11, th3)
                enc = jnp.where(xv > pv, enc + 4, enc)
                pv = plsc.load_gather(ts_v, [enc])
                enc = jnp.where(xv > pv, enc + 2, enc)
                pv = plsc.load_gather(th_v, [enc])
                enc = jnp.where(xv > pv, enc + 1, enc)
                obuf[pl.ds(r * _LANES, _LANES)] = plsc.load_gather(tr_v, [enc])

        def drain(sem, buf):
            pltpu.make_async_copy(x_hbm.at[f, pl.ds(col0, chunk)], buf,
                                  sem).wait()

        last = col0 + (n_chunks - 1) * chunk
        pltpu.async_copy(x_hbm.at[f, pl.ds(col0, chunk)], xb0, si0)
        pltpu.async_copy(x_hbm.at[f, pl.ds(col0 + chunk, chunk)], xb1, si1)

        def pair_body(g, carry):
            a0 = col0 + (2 * g) * chunk

            drain(si0, xb0)

            @pl.when(g > 0)
            def _():
                drain(so0, ob0)

            compute(xb0, ob0)
            pltpu.async_copy(ob0, out_hbm.at[f, pl.ds(a0, chunk)], so0)
            nxt0 = jnp.minimum(a0 + 2 * chunk, last)
            pltpu.async_copy(x_hbm.at[f, pl.ds(nxt0, chunk)], xb0, si0)

            drain(si1, xb1)

            @pl.when(g > 0)
            def _():
                drain(so1, ob1)

            compute(xb1, ob1)
            pltpu.async_copy(ob1, out_hbm.at[f, pl.ds(a0 + chunk, chunk)],
                             so1)
            nxt1 = jnp.minimum(a0 + 3 * chunk, last)
            pltpu.async_copy(x_hbm.at[f, pl.ds(nxt1, chunk)], xb1, si1)
            return carry

        lax.fori_loop(0, n_chunks // 2, pair_body, 0)
        drain(si0, xb0)
        drain(si1, xb1)
        drain(so0, ob0)
        drain(so1, ob1)

    return run(xt, consts)


def kernel(x, thresholds):
    B, F = x.shape
    consts = _build_consts(thresholds)
    info = plsc.get_sparse_core_info()
    n_workers = info.num_cores * info.num_subcores
    cols_per_w = B // (n_workers // F)
    chunk = 8192
    out_t = _run(x.T, consts, cols_per_w, chunk)
    return out_t.T

# --- scband reference (transcript-rebuilt; emitter-appended) ---
"""Pipeline reference for scband-quantile-quantization-layer-71528385347919 (READ-ONLY COPY).

The authoritative reference and input builder live on the scoring server;
editing this copy changes nothing except your own understanding.
"""

import jax, jax.numpy as jnp
import numpy as np

B = 262144
F = 16
T = 15

def setup_inputs(seed: int = 0) -> dict:
    key = jax.random.key(seed)
    x = jax.random.uniform(key, (B, F), dtype=jnp.float32)
    row = jnp.linspace(1.0 / 16.0, 15.0 / 16.0, T, dtype=jnp.float32)
    thresholds = jnp.tile(row[None, :], (F, 1))
    return {"x": x, "thresholds": thresholds}

def reference(x, thresholds):
    # --- ThresholdEncodingLayer ---
    # x: [B, F] -> compare against thresholds [F, T], count exceeded thresholds
    enc = jnp.sum((x[:, :, None] > thresholds[None, :, :]).astype(jnp.float32), axis=-1)  # [B, F], values in [0, T]
    # --- ThresholdDecodingLayer ---
    d = jnp.diff(thresholds, axis=1)  # [F, T-1]
    d = jnp.concatenate([-d[:, 0:1], d, d[:, -1:]], axis=1)  # [F, T+1]
    th = jnp.concatenate([thresholds[:, 0:1], thresholds], axis=1)  # [F, T+1]
    thresholds_rounded = th + d / 2.0  # [F, T+1]
    idx = enc.astype(jnp.int32).T  # [F, B]
    out = jnp.take_along_axis(thresholds_rounded, idx, axis=1).T  # [B, F]
    return out

if __name__ == "__main__":
    import jax
    _d = setup_inputs()
    print(jax.jit(kernel)(*tuple(_d.values())))

</pallas_src>

<mosaic_0001>
#map = affine_map<(d0, d1) -> (0, 0)>
module attributes {stable_mosaic.version = 14 : i64} {
  func.func @run(%arg0: i32, %arg1: i32, %arg2: memref<16x262144xf32, #tpu.memory_space<hbm>>, %arg3: memref<16x48xf32, #tpu.memory_space<hbm>>, %arg4: memref<16x262144xf32, #tpu.memory_space<hbm>>, %arg5: memref<16xf32, #tpu.memory_space<vmem>>, %arg6: memref<16xf32, #tpu.memory_space<vmem>>, %arg7: memref<16xf32, #tpu.memory_space<vmem>>, %arg8: memref<8192xf32, #tpu.memory_space<vmem>>, %arg9: memref<8192xf32, #tpu.memory_space<vmem>>, %arg10: memref<8192xf32, #tpu.memory_space<vmem>>, %arg11: memref<8192xf32, #tpu.memory_space<vmem>>, %arg12: memref<!tpu.dma_semaphore, #tpu.memory_space<semaphore_mem>>, %arg13: memref<!tpu.dma_semaphore, #tpu.memory_space<semaphore_mem>>, %arg14: memref<!tpu.dma_semaphore, #tpu.memory_space<semaphore_mem>>, %arg15: memref<!tpu.dma_semaphore, #tpu.memory_space<semaphore_mem>>) attributes {dimension_semantics = [#tpu.dimension_semantics<core_parallel>, #tpu.dimension_semantics<subcore_parallel>], iteration_bounds = array<i64: 2, 16>, scalar_prefetch = 0 : i64, scratch_operands = 11 : i64, tpu.core_type = #tpu.core_type<sc_vector_subcore>, window_params = [{transform_indices = #map}, {transform_indices = #map}, {transform_indices = #map}]} {
    %mul3A = arith.constant 2 : i32
    %mul3A_0 = arith.muli %arg1, %mul3A : i32
    %add3A = arith.addi %mul3A_0, %arg0 : i32
    %jit3A = arith.constant 2 : i32
    %div3A = arith.divsi %add3A, %jit3A : i32
    %sign3A = arith.constant 0 : i32
    %sign3A_1 = arith.cmpi sgt, %add3A, %sign3A : i32
    %sign3A_2 = arith.extui %sign3A_1 : i1 to i32
    %sign3A_3 = arith.constant 0 : i32
    %sign3A_4 = arith.cmpi slt, %add3A, %sign3A_3 : i32
    %sign3A_5 = arith.extui %sign3A_4 : i1 to i32
    %sign3A_6 = arith.subi %sign3A_2, %sign3A_5 : i32
    %sign3A_7 = arith.constant 0 : i32
    %sign3A_8 = arith.cmpi sgt, %jit3A, %sign3A_7 : i32
    %sign3A_9 = arith.extui %sign3A_8 : i1 to i32
    %sign3A_10 = arith.constant 0 : i32
    %sign3A_11 = arith.cmpi slt, %jit3A, %sign3A_10 : i32
    %sign3A_12 = arith.extui %sign3A_11 : i1 to i32
    %sign3A_13 = arith.subi %sign3A_9, %sign3A_12 : i32
    %ne3A = arith.cmpi ne, %sign3A_6, %sign3A_13 : i32
    %rem3A = arith.remsi %add3A, %jit3A : i32
    %ne3A_14 = arith.constant 0 : i32
    %ne3A_15 = arith.cmpi ne, %rem3A, %ne3A_14 : i32
    %and3A = arith.andi %ne3A, %ne3A_15 : i1
    %sub3A = arith.constant 1 : i32
    %sub3A_16 = arith.subi %div3A, %sub3A : i32
    %select_n3A = arith.select %and3A, %sub3A_16, %div3A : i32
    %jit3A_17 = arith.constant 2 : i32
    %eq3A = arith.constant 0 : i32
    %eq3A_18 = arith.cmpi eq, %jit3A_17, %eq3A : i32
    %jit3A_19 = arith.constant 1 : i32
    %select_n3A_20 = arith.select %eq3A_18, %jit3A_19, %jit3A_17 : i32
    %rem3A_21 = arith.remsi %add3A, %select_n3A_20 : i32
    %ne3A_22 = arith.constant 0 : i32
    %ne3A_23 = arith.cmpi ne, %rem3A_21, %ne3A_22 : i32
    %lt3A = arith.constant 0 : i32
    %lt3A_24 = arith.cmpi slt, %rem3A_21, %lt3A : i32
    %lt3A_25 = arith.constant 0 : i32
    %lt3A_26 = arith.cmpi slt, %select_n3A_20, %lt3A_25 : i32
    %ne3A_27 = arith.xori %lt3A_24, %lt3A_26 : i1
    %and3A_28 = arith.andi %ne3A_27, %ne3A_23 : i1
    %add3A_29 = arith.addi %rem3A_21, %select_n3A_20 : i32
    %select_n3A_30 = arith.select %and3A_28, %add3A_29, %rem3A_21 : i32
    %mul3A_31 = arith.constant 131072 : i32
    %mul3A_32 = arith.muli %select_n3A_30, %mul3A_31 : i32
    "tpu.region"() ({
      %run_scoped3A = tpu.sem_alloc : memref<!tpu.dma_semaphore, #tpu.memory_space<semaphore_mem>>
      %dma_start3A_69 = arith.constant 0 : i32
      %dma_start3A_70 = tpu.memref_slice %arg3[%select_n3A, %dma_start3A_69] : memref<16x48xf32, #tpu.memory_space<hbm>> -> memref<1x16xf32, #tpu.memory_space<hbm>>
      %dma_start3A_71 = tpu.memref_squeeze %dma_start3A_70 : memref<1x16xf32, #tpu.memory_space<hbm>> -> memref<16xf32, #tpu.memory_space<hbm>>
      %dma_start3A_72 = arith.constant 0 : i32
      %dma_start3A_73 = tpu.memref_slice %arg3[%select_n3A, %dma_start3A_72] : memref<16x48xf32, #tpu.memory_space<hbm>> -> memref<1x16xf32, #tpu.memory_space<hbm>>
      %dma_start3A_74 = tpu.memref_squeeze %dma_start3A_73 : memref<1x16xf32, #tpu.memory_space<hbm>> -> memref<16xf32, #tpu.memory_space<hbm>>
      tpu.enqueue_dma source(%dma_start3A_74 : memref<16xf32, #tpu.memory_space<hbm>>) target(%arg5 : memref<16xf32, #tpu.memory_space<vmem>>) target_semaphore(%run_scoped3A : memref<!tpu.dma_semaphore, #tpu.memory_space<semaphore_mem>>)
      %dma_wait3A_75 = arith.constant 0 : i32
      %dma_wait3A_76 = tpu.memref_slice %arg3[%select_n3A, %dma_wait3A_75] : memref<16x48xf32, #tpu.memory_space<hbm>> -> memref<1x16xf32, #tpu.memory_space<hbm>>
      %dma_wait3A_77 = tpu.memref_squeeze %dma_wait3A_76 : memref<1x16xf32, #tpu.memory_space<hbm>> -> memref<16xf32, #tpu.memory_space<hbm>>
      %dma_wait3A_78 = arith.constant 0 : i32
      %dma_wait3A_79 = tpu.memref_slice %arg3[%select_n3A, %dma_wait3A_78] : memref<16x48xf32, #tpu.memory_space<hbm>> -> memref<1x16xf32, #tpu.memory_space<hbm>>
      %dma_wait3A_80 = tpu.memref_squeeze %dma_wait3A_79 : memref<1x16xf32, #tpu.memory_space<hbm>> -> memref<16xf32, #tpu.memory_space<hbm>>
      tpu.wait_dma2 semaphore(%run_scoped3A : memref<!tpu.dma_semaphore, #tpu.memory_space<semaphore_mem>>) src(%dma_wait3A_80 : memref<16xf32, #tpu.memory_space<hbm>>) dst(%arg5 : memref<16xf32, #tpu.memory_space<vmem>>)
      tpu.yield
    }) : () -> ()
    "tpu.region"() ({
      %run_scoped3A = tpu.sem_alloc : memref<!tpu.dma_semaphore, #tpu.memory_space<semaphore_mem>>
      %dma_start3A_69 = arith.constant 16 : i32
      %dma_start3A_70 = tpu.memref_slice %arg3[%select_n3A, %dma_start3A_69] : memref<16x48xf32, #tpu.memory_space<hbm>> -> memref<1x16xf32, #tpu.memory_space<hbm>>
      %dma_start3A_71 = tpu.memref_squeeze %dma_start3A_70 : memref<1x16xf32, #tpu.memory_space<hbm>> -> memref<16xf32, #tpu.memory_space<hbm>>
      %dma_start3A_72 = arith.constant 16 : i32
      %dma_start3A_73 = tpu.memref_slice %arg3[%select_n3A, %dma_start3A_72] : memref<16x48xf32, #tpu.memory_space<hbm>> -> memref<1x16xf32, #tpu.memory_space<hbm>>
      %dma_start3A_74 = tpu.memref_squeeze %dma_start3A_73 : memref<1x16xf32, #tpu.memory_space<hbm>> -> memref<16xf32, #tpu.memory_space<hbm>>
      tpu.enqueue_dma source(%dma_start3A_74 : memref<16xf32, #tpu.memory_space<hbm>>) target(%arg6 : memref<16xf32, #tpu.memory_space<vmem>>) target_semaphore(%run_scoped3A : memref<!tpu.dma_semaphore, #tpu.memory_space<semaphore_mem>>)
      %dma_wait3A_75 = arith.constant 16 : i32
      %dma_wait3A_76 = tpu.memref_slice %arg3[%select_n3A, %dma_wait3A_75] : memref<16x48xf32, #tpu.memory_space<hbm>> -> memref<1x16xf32, #tpu.memory_space<hbm>>
      %dma_wait3A_77 = tpu.memref_squeeze %dma_wait3A_76 : memref<1x16xf32, #tpu.memory_space<hbm>> -> memref<16xf32, #tpu.memory_space<hbm>>
      %dma_wait3A_78 = arith.constant 16 : i32
      %dma_wait3A_79 = tpu.memref_slice %arg3[%select_n3A, %dma_wait3A_78] : memref<16x48xf32, #tpu.memory_space<hbm>> -> memref<1x16xf32, #tpu.memory_space<hbm>>
      %dma_wait3A_80 = tpu.memref_squeeze %dma_wait3A_79 : memref<1x16xf32, #tpu.memory_space<hbm>> -> memref<16xf32, #tpu.memory_space<hbm>>
      tpu.wait_dma2 semaphore(%run_scoped3A : memref<!tpu.dma_semaphore, #tpu.memory_space<semaphore_mem>>) src(%dma_wait3A_80 : memref<16xf32, #tpu.memory_space<hbm>>) dst(%arg6 : memref<16xf32, #tpu.memory_space<vmem>>)
      tpu.yield
    }) : () -> ()
    "tpu.region"() ({
      %run_scoped3A = tpu.sem_alloc : memref<!tpu.dma_semaphore, #tpu.memory_space<semaphore_mem>>
      %dma_start3A_69 = arith.constant 32 : i32
      %dma_start3A_70 = tpu.memref_slice %arg3[%select_n3A, %dma_start3A_69] : memref<16x48xf32, #tpu.memory_space<hbm>> -> memref<1x16xf32, #tpu.memory_space<hbm>>
      %dma_start3A_71 = tpu.memref_squeeze %dma_start3A_70 : memref<1x16xf32, #tpu.memory_space<hbm>> -> memref<16xf32, #tpu.memory_space<hbm>>
      %dma_start3A_72 = arith.constant 32 : i32
      %dma_start3A_73 = tpu.memref_slice %arg3[%select_n3A, %dma_start3A_72] : memref<16x48xf32, #tpu.memory_space<hbm>> -> memref<1x16xf32, #tpu.memory_space<hbm>>
      %dma_start3A_74 = tpu.memref_squeeze %dma_start3A_73 : memref<1x16xf32, #tpu.memory_space<hbm>> -> memref<16xf32, #tpu.memory_space<hbm>>
      tpu.enqueue_dma source(%dma_start3A_74 : memref<16xf32, #tpu.memory_space<hbm>>) target(%arg7 : memref<16xf32, #tpu.memory_space<vmem>>) target_semaphore(%run_scoped3A : memref<!tpu.dma_semaphore, #tpu.memory_space<semaphore_mem>>)
      %dma_wait3A_75 = arith.constant 32 : i32
      %dma_wait3A_76 = tpu.memref_slice %arg3[%select_n3A, %dma_wait3A_75] : memref<16x48xf32, #tpu.memory_space<hbm>> -> memref<1x16xf32, #tpu.memory_space<hbm>>
      %dma_wait3A_77 = tpu.memref_squeeze %dma_wait3A_76 : memref<1x16xf32, #tpu.memory_space<hbm>> -> memref<16xf32, #tpu.memory_space<hbm>>
      %dma_wait3A_78 = arith.constant 32 : i32
      %dma_wait3A_79 = tpu.memref_slice %arg3[%select_n3A, %dma_wait3A_78] : memref<16x48xf32, #tpu.memory_space<hbm>> -> memref<1x16xf32, #tpu.memory_space<hbm>>
      %dma_wait3A_80 = tpu.memref_squeeze %dma_wait3A_79 : memref<1x16xf32, #tpu.memory_space<hbm>> -> memref<16xf32, #tpu.memory_space<hbm>>
      tpu.wait_dma2 semaphore(%run_scoped3A : memref<!tpu.dma_semaphore, #tpu.memory_space<semaphore_mem>>) src(%dma_wait3A_80 : memref<16xf32, #tpu.memory_space<hbm>>) dst(%arg7 : memref<16xf32, #tpu.memory_space<vmem>>)
      tpu.yield
    }) : () -> ()
    %get3A = arith.constant 0 : index
    %get3A_33 = tpu.vector_load %arg5[%get3A] {strides = array<i32>} : memref<16xf32, #tpu.memory_space<vmem>>, vector<16xf32>,
    %slice3A = vector.extract_strided_slice %get3A_33 {offsets = [7], sizes = [1], strides = [1]} : vector<16xf32> to vector<1xf32>
    %squeeze3A = vector.extract %slice3A[0] : f32 from vector<1xf32>
    %slice3A_34 = vector.extract_strided_slice %get3A_33 {offsets = [3], sizes = [1], strides = [1]} : vector<16xf32> to vector<1xf32>
    %squeeze3A_35 = vector.extract %slice3A_34[0] : f32 from vector<1xf32>
    %slice3A_36 = vector.extract_strided_slice %get3A_33 {offsets = [11], sizes = [1], strides = [1]} : vector<16xf32> to vector<1xf32>
    %squeeze3A_37 = vector.extract %slice3A_36[0] : f32 from vector<1xf32>
    %add3A_38 = arith.constant 122880 : i32
    %add3A_39 = arith.addi %mul3A_32, %add3A_38 : i32
    %dma_start3A = tpu.memref_slice %arg2[%select_n3A, %mul3A_32] : memref<16x262144xf32, #tpu.memory_space<hbm>> -> memref<1x8192xf32, #tpu.memory_space<hbm>>
    %dma_start3A_40 = tpu.memref_squeeze %dma_start3A : memref<1x8192xf32, #tpu.memory_space<hbm>> -> memref<8192xf32, #tpu.memory_space<hbm>>
    %dma_start3A_41 = tpu.memref_slice %arg2[%select_n3A, %mul3A_32] : memref<16x262144xf32, #tpu.memory_space<hbm>> -> memref<1x8192xf32, #tpu.memory_space<hbm>>
    %dma_start3A_42 = tpu.memref_squeeze %dma_start3A_41 : memref<1x8192xf32, #tpu.memory_space<hbm>> -> memref<8192xf32, #tpu.memory_space<hbm>>
    tpu.enqueue_dma source(%dma_start3A_42 : memref<8192xf32, #tpu.memory_space<hbm>>) target(%arg8 : memref<8192xf32, #tpu.memory_space<vmem>>) target_semaphore(%arg12 : memref<!tpu.dma_semaphore, #tpu.memory_space<semaphore_mem>>)
    %add3A_43 = arith.constant 8192 : i32
    %add3A_44 = arith.addi %mul3A_32, %add3A_43 : i32
    %dma_start3A_45 = tpu.memref_slice %arg2[%select_n3A, %add3A_44] : memref<16x262144xf32, #tpu.memory_space<hbm>> -> memref<1x8192xf32, #tpu.memory_space<hbm>>
    %dma_start3A_46 = tpu.memref_squeeze %dma_start3A_45 : memref<1x8192xf32, #tpu.memory_space<hbm>> -> memref<8192xf32, #tpu.memory_space<hbm>>
    %dma_start3A_47 = tpu.memref_slice %arg2[%select_n3A, %add3A_44] : memref<16x262144xf32, #tpu.memory_space<hbm>> -> memref<1x8192xf32, #tpu.memory_space<hbm>>
    %dma_start3A_48 = tpu.memref_squeeze %dma_start3A_47 : memref<1x8192xf32, #tpu.memory_space<hbm>> -> memref<8192xf32, #tpu.memory_space<hbm>>
    tpu.enqueue_dma source(%dma_start3A_48 : memref<8192xf32, #tpu.memory_space<hbm>>) target(%arg9 : memref<8192xf32, #tpu.memory_space<vmem>>) target_semaphore(%arg13 : memref<!tpu.dma_semaphore, #tpu.memory_space<semaphore_mem>>)
    %scan3A = arith.constant 0 : i32
    %scan3A_49 = arith.constant 0 : i32
    %scan3A_50 = arith.constant 8 : i32
    %scan3A_51 = arith.addi %scan3A_49, %scan3A_50 : i32
    %scan3A_52 = arith.constant 1 : i32
    scf.for %scan3A_69 = %scan3A_49 to %scan3A_51 step %scan3A_52  : i32 {
      %mul3A_70 = arith.constant 2 : i32
      %mul3A_71 = arith.muli %mul3A_70, %scan3A_69 : i32
      %mul3A_72 = arith.constant 8192 : i32
      %mul3A_73 = arith.muli %mul3A_71, %mul3A_72 : i32
      %add3A_74 = arith.addi %mul3A_32, %mul3A_73 : i32
      %dma_wait3A_75 = tpu.memref_slice %arg2[%select_n3A, %mul3A_32] : memref<16x262144xf32, #tpu.memory_space<hbm>> -> memref<1x8192xf32, #tpu.memory_space<hbm>>
      %dma_wait3A_76 = tpu.memref_squeeze %dma_wait3A_75 : memref<1x8192xf32, #tpu.memory_space<hbm>> -> memref<8192xf32, #tpu.memory_space<hbm>>
      %dma_wait3A_77 = tpu.memref_slice %arg2[%select_n3A, %mul3A_32] : memref<16x262144xf32, #tpu.memory_space<hbm>> -> memref<1x8192xf32, #tpu.memory_space<hbm>>
      %dma_wait3A_78 = tpu.memref_squeeze %dma_wait3A_77 : memref<1x8192xf32, #tpu.memory_space<hbm>> -> memref<8192xf32, #tpu.memory_space<hbm>>
      tpu.wait_dma2 semaphore(%arg12 : memref<!tpu.dma_semaphore, #tpu.memory_space<semaphore_mem>>) src(%dma_wait3A_78 : memref<8192xf32, #tpu.memory_space<hbm>>) dst(%arg8 : memref<8192xf32, #tpu.memory_space<vmem>>)
      %gt3A = arith.constant 0 : i32
      %gt3A_79 = arith.cmpi sgt, %scan3A_69, %gt3A : i32
      %convert_element_type3A = arith.extui %gt3A_79 : i1 to i32
      %cond3A = arith.constant 0 : i32
      %cond3A_80 = arith.cmpi ne, %convert_element_type3A, %cond3A : i32
      scf.if %cond3A_80 {
        %dma_wait3A_118 = tpu.memref_slice %arg2[%select_n3A, %mul3A_32] : memref<16x262144xf32, #tpu.memory_space<hbm>> -> memref<1x8192xf32, #tpu.memory_space<hbm>>
        %dma_wait3A_119 = tpu.memref_squeeze %dma_wait3A_118 : memref<1x8192xf32, #tpu.memory_space<hbm>> -> memref<8192xf32, #tpu.memory_space<hbm>>
        %dma_wait3A_120 = tpu.memref_slice %arg2[%select_n3A, %mul3A_32] : memref<16x262144xf32, #tpu.memory_space<hbm>> -> memref<1x8192xf32, #tpu.memory_space<hbm>>
        %dma_wait3A_121 = tpu.memref_squeeze %dma_wait3A_120 : memref<1x8192xf32, #tpu.memory_space<hbm>> -> memref<8192xf32, #tpu.memory_space<hbm>>
        tpu.wait_dma2 semaphore(%arg14 : memref<!tpu.dma_semaphore, #tpu.memory_space<semaphore_mem>>) src(%dma_wait3A_121 : memref<8192xf32, #tpu.memory_space<hbm>>) dst(%arg10 : memref<8192xf32, #tpu.memory_space<vmem>>)
      } else {
      }
      %parallel_loop3A = arith.constant 0 : i32
      %parallel_loop3A_81 = arith.constant 512 : i32
      %parallel_loop3A_82 = arith.constant 1 : i32
      scf.for %parallel_loop3A_118 = %parallel_loop3A to %parallel_loop3A_81 step %parallel_loop3A_82  : i32 {
        %parallel_loop3A_119 = arith.constant 16 : i32
        %parallel_loop3A_120 = arith.muli %parallel_loop3A_118, %parallel_loop3A_119 : i32
        %parallel_loop3A_121 = arith.index_cast %parallel_loop3A_120 : i32 to index
        %parallel_loop3A_122 = tpu.vector_load %arg8[%parallel_loop3A_121] {strides = array<i32>} : memref<8192xf32, #tpu.memory_space<vmem>>, vector<16xf32>,
        %parallel_loop3A_123 = vector.broadcast %squeeze3A : f32 to vector<16xf32>
        %parallel_loop3A_124 = arith.cmpf ogt, %parallel_loop3A_122, %parallel_loop3A_123 : vector<16xf32>
        %parallel_loop3A_125 = arith.constant 8 : i32
        %parallel_loop3A_126 = arith.constant 0 : i32
        %parallel_loop3A_127 = vector.broadcast %parallel_loop3A_125 : i32 to vector<16xi32>
        %parallel_loop3A_128 = vector.broadcast %parallel_loop3A_126 : i32 to vector<16xi32>
        %parallel_loop3A_129 = arith.select %parallel_loop3A_124, %parallel_loop3A_127, %parallel_loop3A_128 : vector<16xi1>, vector<16xi32>
        %parallel_loop3A_130 = vector.broadcast %squeeze3A_37 : f32 to vector<16xf32>
        %parallel_loop3A_131 = vector.broadcast %squeeze3A_35 : f32 to vector<16xf32>
        %parallel_loop3A_132 = arith.select %parallel_loop3A_124, %parallel_loop3A_130, %parallel_loop3A_131 : vector<16xi1>, vector<16xf32>
        %parallel_loop3A_133 = arith.cmpf ogt, %parallel_loop3A_122, %parallel_loop3A_132 : vector<16xf32>
        %parallel_loop3A_134 = arith.constant 4 : i32
        %parallel_loop3A_135 = vector.broadcast %parallel_loop3A_134 : i32 to vector<16xi32>
        %parallel_loop3A_136 = arith.addi %parallel_loop3A_129, %parallel_loop3A_135 : vector<16xi32>
        %parallel_loop3A_137 = arith.select %parallel_loop3A_133, %parallel_loop3A_136, %parallel_loop3A_129 : vector<16xi1>, vector<16xi32>
        %parallel_loop3A_138 = tpu.vector_load_idx %arg6[%parallel_loop3A_137] : memref<16xf32, #tpu.memory_space<vmem>>[vector<16xi32>], vector<16xf32>,
        %parallel_loop3A_139 = arith.cmpf ogt, %parallel_loop3A_122, %parallel_loop3A_138 : vector<16xf32>
        %parallel_loop3A_140 = arith.constant 2 : i32
        %parallel_loop3A_141 = vector.broadcast %parallel_loop3A_140 : i32 to vector<16xi32>
        %parallel_loop3A_142 = arith.addi %parallel_loop3A_137, %parallel_loop3A_141 : vector<16xi32>
        %parallel_loop3A_143 = arith.select %parallel_loop3A_139, %parallel_loop3A_142, %parallel_loop3A_137 : vector<16xi1>, vector<16xi32>
        %parallel_loop3A_144 = tpu.vector_load_idx %arg5[%parallel_loop3A_143] : memref<16xf32, #tpu.memory_space<vmem>>[vector<16xi32>], vector<16xf32>,
        %parallel_loop3A_145 = arith.cmpf ogt, %parallel_loop3A_122, %parallel_loop3A_144 : vector<16xf32>
        %parallel_loop3A_146 = arith.constant 1 : i32
        %parallel_loop3A_147 = vector.broadcast %parallel_loop3A_146 : i32 to vector<16xi32>
        %parallel_loop3A_148 = arith.addi %parallel_loop3A_143, %parallel_loop3A_147 : vector<16xi32>
        %parallel_loop3A_149 = arith.select %parallel_loop3A_145, %parallel_loop3A_148, %parallel_loop3A_143 : vector<16xi1>, vector<16xi32>
        %parallel_loop3A_150 = tpu.vector_load_idx %arg7[%parallel_loop3A_149] : memref<16xf32, #tpu.memory_space<vmem>>[vector<16xi32>], vector<16xf32>,
        %parallel_loop3A_151 = arith.constant 16 : i32
        %parallel_loop3A_152 = arith.muli %parallel_loop3A_118, %parallel_loop3A_151 : i32
        %parallel_loop3A_153 = arith.index_cast %parallel_loop3A_152 : i32 to index
        %parallel_loop3A_154 = tpu.vector_load %arg10[%parallel_loop3A_153] {strides = array<i32>} : memref<8192xf32, #tpu.memory_space<vmem>>, vector<16xf32>,
        tpu.vector_store %arg10[%parallel_loop3A_153], %parallel_loop3A_150 {strides = array<i32>} : memref<8192xf32, #tpu.memory_space<vmem>>, vector<16xf32>,
      } {sc.loop_unroll_factor = 4 : i64, sc.parallel_access}
      %dma_start3A_83 = tpu.memref_slice %arg4[%select_n3A, %add3A_74] : memref<16x262144xf32, #tpu.memory_space<hbm>> -> memref<1x8192xf32, #tpu.memory_space<hbm>>
      %dma_start3A_84 = tpu.memref_squeeze %dma_start3A_83 : memref<1x8192xf32, #tpu.memory_space<hbm>> -> memref<8192xf32, #tpu.memory_space<hbm>>
      %dma_start3A_85 = tpu.memref_slice %arg4[%select_n3A, %add3A_74] : memref<16x262144xf32, #tpu.memory_space<hbm>> -> memref<1x8192xf32, #tpu.memory_space<hbm>>
      %dma_start3A_86 = tpu.memref_squeeze %dma_start3A_85 : memref<1x8192xf32, #tpu.memory_space<hbm>> -> memref<8192xf32, #tpu.memory_space<hbm>>
      tpu.enqueue_dma source(%arg10 : memref<8192xf32, #tpu.memory_space<vmem>>) target(%dma_start3A_86 : memref<8192xf32, #tpu.memory_space<hbm>>) target_semaphore(%arg14 : memref<!tpu.dma_semaphore, #tpu.memory_space<semaphore_mem>>)
      %add3A_87 = arith.constant 16384 : i32
      %add3A_88 = arith.addi %add3A_74, %add3A_87 : i32
      %min3A = arith.minsi %add3A_88, %add3A_39 : i32
      %dma_start3A_89 = tpu.memref_slice %arg2[%select_n3A, %min3A] : memref<16x262144xf32, #tpu.memory_space<hbm>> -> memref<1x8192xf32, #tpu.memory_space<hbm>>
      %dma_start3A_90 = tpu.memref_squeeze %dma_start3A_89 : memref<1x8192xf32, #tpu.memory_space<hbm>> -> memref<8192xf32, #tpu.memory_space<hbm>>
      %dma_start3A_91 = tpu.memref_slice %arg2[%select_n3A, %min3A] : memref<16x262144xf32, #tpu.memory_space<hbm>> -> memref<1x8192xf32, #tpu.memory_space<hbm>>
      %dma_start3A_92 = tpu.memref_squeeze %dma_start3A_91 : memref<1x8192xf32, #tpu.memory_space<hbm>> -> memref<8192xf32, #tpu.memory_space<hbm>>
      tpu.enqueue_dma source(%dma_start3A_92 : memref<8192xf32, #tpu.memory_space<hbm>>) target(%arg8 : memref<8192xf32, #tpu.memory_space<vmem>>) target_semaphore(%arg12 : memref<!tpu.dma_semaphore, #tpu.memory_space<semaphore_mem>>)
      %dma_wait3A_93 = tpu.memref_slice %arg2[%select_n3A, %mul3A_32] : memref<16x262144xf32, #tpu.memory_space<hbm>> -> memref<1x8192xf32, #tpu.memory_space<hbm>>
      %dma_wait3A_94 = tpu.memref_squeeze %dma_wait3A_93 : memref<1x8192xf32, #tpu.memory_space<hbm>> -> memref<8192xf32, #tpu.memory_space<hbm>>
      %dma_wait3A_95 = tpu.memref_slice %arg2[%select_n3A, %mul3A_32] : memref<16x262144xf32, #tpu.memory_space<hbm>> -> memref<1x8192xf32, #tpu.memory_space<hbm>>
      %dma_wait3A_96 = tpu.memref_squeeze %dma_wait3A_95 : memref<1x8192xf32, #tpu.memory_space<hbm>> -> memref<8192xf32, #tpu.memory_space<hbm>>
      tpu.wait_dma2 semaphore(%arg13 : memref<!tpu.dma_semaphore, #tpu.memory_space<semaphore_mem>>) src(%dma_wait3A_96 : memref<8192xf32, #tpu.memory_space<hbm>>) dst(%arg9 : memref<8192xf32, #tpu.memory_space<vmem>>)
      %gt3A_97 = arith.constant 0 : i32
      %gt3A_98 = arith.cmpi sgt, %scan3A_69, %gt3A_97 : i32
      %convert_element_type3A_99 = arith.extui %gt3A_98 : i1 to i32
      %cond3A_100 = arith.constant 0 : i32
      %cond3A_101 = arith.cmpi ne, %convert_element_type3A_99, %cond3A_100 : i32
      scf.if %cond3A_101 {
        %dma_wait3A_118 = tpu.memref_slice %arg2[%select_n3A, %mul3A_32] : memref<16x262144xf32, #tpu.memory_space<hbm>> -> memref<1x8192xf32, #tpu.memory_space<hbm>>
        %dma_wait3A_119 = tpu.memref_squeeze %dma_wait3A_118 : memref<1x8192xf32, #tpu.memory_space<hbm>> -> memref<8192xf32, #tpu.memory_space<hbm>>
        %dma_wait3A_120 = tpu.memref_slice %arg2[%select_n3A, %mul3A_32] : memref<16x262144xf32, #tpu.memory_space<hbm>> -> memref<1x8192xf32, #tpu.memory_space<hbm>>
        %dma_wait3A_121 = tpu.memref_squeeze %dma_wait3A_120 : memref<1x8192xf32, #tpu.memory_space<hbm>> -> memref<8192xf32, #tpu.memory_space<hbm>>
        tpu.wait_dma2 semaphore(%arg15 : memref<!tpu.dma_semaphore, #tpu.memory_space<semaphore_mem>>) src(%dma_wait3A_121 : memref<8192xf32, #tpu.memory_space<hbm>>) dst(%arg11 : memref<8192xf32, #tpu.memory_space<vmem>>)
      } else {
      }
      %parallel_loop3A_102 = arith.constant 0 : i32
      %parallel_loop3A_103 = arith.constant 512 : i32
      %parallel_loop3A_104 = arith.constant 1 : i32
      scf.for %parallel_loop3A_118 = %parallel_loop3A_102 to %parallel_loop3A_103 step %parallel_loop3A_104  : i32 {
        %parallel_loop3A_119 = arith.constant 16 : i32
        %parallel_loop3A_120 = arith.muli %parallel_loop3A_118, %parallel_loop3A_119 : i32
        %parallel_loop3A_121 = arith.index_cast %parallel_loop3A_120 : i32 to index
        %parallel_loop3A_122 = tpu.vector_load %arg9[%parallel_loop3A_121] {strides = array<i32>} : memref<8192xf32, #tpu.memory_space<vmem>>, vector<16xf32>,
        %parallel_loop3A_123 = vector.broadcast %squeeze3A : f32 to vector<16xf32>
        %parallel_loop3A_124 = arith.cmpf ogt, %parallel_loop3A_122, %parallel_loop3A_123 : vector<16xf32>
        %parallel_loop3A_125 = arith.constant 8 : i32
        %parallel_loop3A_126 = arith.constant 0 : i32
        %parallel_loop3A_127 = vector.broadcast %parallel_loop3A_125 : i32 to vector<16xi32>
        %parallel_loop3A_128 = vector.broadcast %parallel_loop3A_126 : i32 to vector<16xi32>
        %parallel_loop3A_129 = arith.select %parallel_loop3A_124, %parallel_loop3A_127, %parallel_loop3A_128 : vector<16xi1>, vector<16xi32>
        %parallel_loop3A_130 = vector.broadcast %squeeze3A_37 : f32 to vector<16xf32>
        %parallel_loop3A_131 = vector.broadcast %squeeze3A_35 : f32 to vector<16xf32>
        %parallel_loop3A_132 = arith.select %parallel_loop3A_124, %parallel_loop3A_130, %parallel_loop3A_131 : vector<16xi1>, vector<16xf32>
        %parallel_loop3A_133 = arith.cmpf ogt, %parallel_loop3A_122, %parallel_loop3A_132 : vector<16xf32>
        %parallel_loop3A_134 = arith.constant 4 : i32
        %parallel_loop3A_135 = vector.broadcast %parallel_loop3A_134 : i32 to vector<16xi32>
        %parallel_loop3A_136 = arith.addi %parallel_loop3A_129, %parallel_loop3A_135 : vector<16xi32>
        %parallel_loop3A_137 = arith.select %parallel_loop3A_133, %parallel_loop3A_136, %parallel_loop3A_129 : vector<16xi1>, vector<16xi32>
        %parallel_loop3A_138 = tpu.vector_load_idx %arg6[%parallel_loop3A_137] : memref<16xf32, #tpu.memory_space<vmem>>[vector<16xi32>], vector<16xf32>,
        %parallel_loop3A_139 = arith.cmpf ogt, %parallel_loop3A_122, %parallel_loop3A_138 : vector<16xf32>
        %parallel_loop3A_140 = arith.constant 2 : i32
        %parallel_loop3A_141 = vector.broadcast %parallel_loop3A_140 : i32 to vector<16xi32>
        %parallel_loop3A_142 = arith.addi %parallel_loop3A_137, %parallel_loop3A_141 : vector<16xi32>
        %parallel_loop3A_143 = arith.select %parallel_loop3A_139, %parallel_loop3A_142, %parallel_loop3A_137 : vector<16xi1>, vector<16xi32>
        %parallel_loop3A_144 = tpu.vector_load_idx %arg5[%parallel_loop3A_143] : memref<16xf32, #tpu.memory_space<vmem>>[vector<16xi32>], vector<16xf32>,
        %parallel_loop3A_145 = arith.cmpf ogt, %parallel_loop3A_122, %parallel_loop3A_144 : vector<16xf32>
        %parallel_loop3A_146 = arith.constant 1 : i32
        %parallel_loop3A_147 = vector.broadcast %parallel_loop3A_146 : i32 to vector<16xi32>
        %parallel_loop3A_148 = arith.addi %parallel_loop3A_143, %parallel_loop3A_147 : vector<16xi32>
        %parallel_loop3A_149 = arith.select %parallel_loop3A_145, %parallel_loop3A_148, %parallel_loop3A_143 : vector<16xi1>, vector<16xi32>
        %parallel_loop3A_150 = tpu.vector_load_idx %arg7[%parallel_loop3A_149] : memref<16xf32, #tpu.memory_space<vmem>>[vector<16xi32>], vector<16xf32>,
        %parallel_loop3A_151 = arith.constant 16 : i32
        %parallel_loop3A_152 = arith.muli %parallel_loop3A_118, %parallel_loop3A_151 : i32
        %parallel_loop3A_153 = arith.index_cast %parallel_loop3A_152 : i32 to index
        %parallel_loop3A_154 = tpu.vector_load %arg11[%parallel_loop3A_153] {strides = array<i32>} : memref<8192xf32, #tpu.memory_space<vmem>>, vector<16xf32>,
        tpu.vector_store %arg11[%parallel_loop3A_153], %parallel_loop3A_150 {strides = array<i32>} : memref<8192xf32, #tpu.memory_space<vmem>>, vector<16xf32>,
      } {sc.loop_unroll_factor = 4 : i64, sc.parallel_access}
      %add3A_105 = arith.constant 8192 : i32
      %add3A_106 = arith.addi %add3A_74, %add3A_105 : i32
      %dma_start3A_107 = tpu.memref_slice %arg4[%select_n3A, %add3A_106] : memref<16x262144xf32, #tpu.memory_space<hbm>> -> memref<1x8192xf32, #tpu.memory_space<hbm>>
      %dma_start3A_108 = tpu.memref_squeeze %dma_start3A_107 : memref<1x8192xf32, #tpu.memory_space<hbm>> -> memref<8192xf32, #tpu.memory_space<hbm>>
      %dma_start3A_109 = tpu.memref_slice %arg4[%select_n3A, %add3A_106] : memref<16x262144xf32, #tpu.memory_space<hbm>> -> memref<1x8192xf32, #tpu.memory_space<hbm>>
      %dma_start3A_110 = tpu.memref_squeeze %dma_start3A_109 : memref<1x8192xf32, #tpu.memory_space<hbm>> -> memref<8192xf32, #tpu.memory_space<hbm>>
      tpu.enqueue_dma source(%arg11 : memref<8192xf32, #tpu.memory_space<vmem>>) target(%dma_start3A_110 : memref<8192xf32, #tpu.memory_space<hbm>>) target_semaphore(%arg15 : memref<!tpu.dma_semaphore, #tpu.memory_space<semaphore_mem>>)
      %add3A_111 = arith.constant 24576 : i32
      %add3A_112 = arith.addi %add3A_74, %add3A_111 : i32
      %min3A_113 = arith.minsi %add3A_112, %add3A_39 : i32
      %dma_start3A_114 = tpu.memref_slice %arg2[%select_n3A, %min3A_113] : memref<16x262144xf32, #tpu.memory_space<hbm>> -> memref<1x8192xf32, #tpu.memory_space<hbm>>
      %dma_start3A_115 = tpu.memref_squeeze %dma_start3A_114 : memref<1x8192xf32, #tpu.memory_space<hbm>> -> memref<8192xf32, #tpu.memory_space<hbm>>
      %dma_start3A_116 = tpu.memref_slice %arg2[%select_n3A, %min3A_113] : memref<16x262144xf32, #tpu.memory_space<hbm>> -> memref<1x8192xf32, #tpu.memory_space<hbm>>
      %dma_start3A_117 = tpu.memref_squeeze %dma_start3A_116 : memref<1x8192xf32, #tpu.memory_space<hbm>> -> memref<8192xf32, #tpu.memory_space<hbm>>
      tpu.enqueue_dma source(%dma_start3A_117 : memref<8192xf32, #tpu.memory_space<hbm>>) target(%arg9 : memref<8192xf32, #tpu.memory_space<vmem>>) target_semaphore(%arg13 : memref<!tpu.dma_semaphore, #tpu.memory_space<semaphore_mem>>)
    }
    %scan3A_53 = arith.constant 8 : i32
    %dma_wait3A = tpu.memref_slice %arg2[%select_n3A, %mul3A_32] : memref<16x262144xf32, #tpu.memory_space<hbm>> -> memref<1x8192xf32, #tpu.memory_space<hbm>>
    %dma_wait3A_54 = tpu.memref_squeeze %dma_wait3A : memref<1x8192xf32, #tpu.memory_space<hbm>> -> memref<8192xf32, #tpu.memory_space<hbm>>
    %dma_wait3A_55 = tpu.memref_slice %arg2[%select_n3A, %mul3A_32] : memref<16x262144xf32, #tpu.memory_space<hbm>> -> memref<1x8192xf32, #tpu.memory_space<hbm>>
    %dma_wait3A_56 = tpu.memref_squeeze %dma_wait3A_55 : memref<1x8192xf32, #tpu.memory_space<hbm>> -> memref<8192xf32, #tpu.memory_space<hbm>>
    tpu.wait_dma2 semaphore(%arg12 : memref<!tpu.dma_semaphore, #tpu.memory_space<semaphore_mem>>) src(%dma_wait3A_56 : memref<8192xf32, #tpu.memory_space<hbm>>) dst(%arg8 : memref<8192xf32, #tpu.memory_space<vmem>>)
    %dma_wait3A_57 = tpu.memref_slice %arg2[%select_n3A, %mul3A_32] : memref<16x262144xf32, #tpu.memory_space<hbm>> -> memref<1x8192xf32, #tpu.memory_space<hbm>>
    %dma_wait3A_58 = tpu.memref_squeeze %dma_wait3A_57 : memref<1x8192xf32, #tpu.memory_space<hbm>> -> memref<8192xf32, #tpu.memory_space<hbm>>
    %dma_wait3A_59 = tpu.memref_slice %arg2[%select_n3A, %mul3A_32] : memref<16x262144xf32, #tpu.memory_space<hbm>> -> memref<1x8192xf32, #tpu.memory_space<hbm>>
    %dma_wait3A_60 = tpu.memref_squeeze %dma_wait3A_59 : memref<1x8192xf32, #tpu.memory_space<hbm>> -> memref<8192xf32, #tpu.memory_space<hbm>>
    tpu.wait_dma2 semaphore(%arg13 : memref<!tpu.dma_semaphore, #tpu.memory_space<semaphore_mem>>) src(%dma_wait3A_60 : memref<8192xf32, #tpu.memory_space<hbm>>) dst(%arg9 : memref<8192xf32, #tpu.memory_space<vmem>>)
    %dma_wait3A_61 = tpu.memref_slice %arg2[%select_n3A, %mul3A_32] : memref<16x262144xf32, #tpu.memory_space<hbm>> -> memref<1x8192xf32, #tpu.memory_space<hbm>>
    %dma_wait3A_62 = tpu.memref_squeeze %dma_wait3A_61 : memref<1x8192xf32, #tpu.memory_space<hbm>> -> memref<8192xf32, #tpu.memory_space<hbm>>
    %dma_wait3A_63 = tpu.memref_slice %arg2[%select_n3A, %mul3A_32] : memref<16x262144xf32, #tpu.memory_space<hbm>> -> memref<1x8192xf32, #tpu.memory_space<hbm>>
    %dma_wait3A_64 = tpu.memref_squeeze %dma_wait3A_63 : memref<1x8192xf32, #tpu.memory_space<hbm>> -> memref<8192xf32, #tpu.memory_space<hbm>>
    tpu.wait_dma2 semaphore(%arg14 : memref<!tpu.dma_semaphore, #tpu.memory_space<semaphore_mem>>) src(%dma_wait3A_64 : memref<8192xf32, #tpu.memory_space<hbm>>) dst(%arg10 : memref<8192xf32, #tpu.memory_space<vmem>>)
    %dma_wait3A_65 = tpu.memref_slice %arg2[%select_n3A, %mul3A_32] : memref<16x262144xf32, #tpu.memory_space<hbm>> -> memref<1x8192xf32, #tpu.memory_space<hbm>>
    %dma_wait3A_66 = tpu.memref_squeeze %dma_wait3A_65 : memref<1x8192xf32, #tpu.memory_space<hbm>> -> memref<8192xf32, #tpu.memory_space<hbm>>
    %dma_wait3A_67 = tpu.memref_slice %arg2[%select_n3A, %mul3A_32] : memref<16x262144xf32, #tpu.memory_space<hbm>> -> memref<1x8192xf32, #tpu.memory_space<hbm>>
    %dma_wait3A_68 = tpu.memref_squeeze %dma_wait3A_67 : memref<1x8192xf32, #tpu.memory_space<hbm>> -> memref<8192xf32, #tpu.memory_space<hbm>>
    tpu.wait_dma2 semaphore(%arg15 : memref<!tpu.dma_semaphore, #tpu.memory_space<semaphore_mem>>) src(%dma_wait3A_68 : memref<8192xf32, #tpu.memory_space<hbm>>) dst(%arg11 : memref<8192xf32, #tpu.memory_space<vmem>>)
    return
  }
}

</mosaic_0001>

<sc_bundles>
// kernel: _run.3.cloned.1.call-start
scs
__scs_entry_jumppad:
0x0: {  	(pc) =	sbr.rel $0x88, $3  }
0x1: {  	(tag) =	ssettag $0x0;
	lr =	simm.s32 $0x1  }
0x2: {  	[smem:$0x3F9F] =	sst lr;
	_ =	strace $0xD0000000  }
0x3: {  	_ = 	snop  }
0x4: {  	_ = 	snop  }
0x5: {  	_ = 	snop  }
0x6: {  	_ = 	snop  }
0x7: {  	_ = 	snop  }
__scs_overlays_trampoline_lowered:
0x8: {  	[smem:$0x3FAE] =	sst s0  }
0x9: {  	[smem:$0x3FAF] =	sst s1  }
0xa: {  	[smem:$0x3FB0] =	sst s2  }
0xb: {  	[smem:$0x3FB1] =	sst s3  }
0xc: {  	[smem:$0x3FB2] =	sst s4  }
0xd: {  	[smem:$0x3FB3] =	sst s5  }
0xe: {  	[smem:$0x3FB4] =	sst s6  }
0xf: {  	[smem:$0x3FB5] =	sst s7  }
0x10: {  	[smem:$0x3FB6] =	sst s8  }
0x11: {  	[smem:$0x3FB7] =	sst s9;
	s0 =	simm.s32 @!p0 $0x0  }
0x12: {  	s1 =	sld [smem:$0x3F9D];
	s0 =	simm.s32 @p0 $0x1  }
0x13: {  	[smem:$0x3FB8] =	sst s0;
	s0 =	simm.s32 @!p1 $0x0  }
0x14: {  	s2 =	sld [smem:$0x3F9C];
	s0 =	simm.s32 @p1 $0x1  }
0x15: {  	[smem:$0x3FB9] =	sst s0;
	s0 =	simm.s32 @!p2 $0x0  }
0x16: {  	s3 =	sld [smem:$0x3FDB];
	s0 =	simm.s32 @p2 $0x1  }
0x17: {  	s4 =	simm.s32 $0x1BF5;
	[smem:$0x3FBB] =	sst s0  }
0x18: {  	s0 =	sld [smem:$0x3F9E];
	_ =	swait.ge [sflag:s4], $0x0  }
0x19: {  	s7 =	sld [smem:$0x3F9F]  }
0x1a: {  	s8 =	sadd.s32 $0xFFFFE003, lr  }
0x1b: {  	s9 =	sadd.s32 $0xFFFFFEF7, lr;
	s5 =	simm.s32 $0xFFFFFFFF;
	p2 =	slt.u32 s8, $0xFFFFF086  }
0x1c: {  	p1 =	slt.u32 s9, $0xF7A;
	s5 =	simm.s32 @!p2 $0x0  }
0x1d: {  	s5 =	simm.s32 @p1 $0x1;
	p0 =	seq.s32 s7, s2  }
0x1e: {  	s7 =	smul.u32 @!p0 $0xF7A, s2;
	p2 =	seq.s32 @!p0 s5, $0x0  }
0x1f: {  	s9 =	smul.u32 $0xF7A, s1;
	s8 =	simm.s32 @!p0 $0x1BF5;
	p2 =	por !p2, p0  }
0x20: {  	[sflag:s8] =	ssyncset.s32 @!p0 $0xFFFFF086;
	s6 =	sadd.s32 @!p0 s3, s7;
	s7 =	simm.s32 @!p0 $0x108  }
0x21: {  	s3 =	sadd.s32 s3, s9;
	s6 =	sadd.s32 @!p0 $0x88, s6;
	s7 =	simm.s32 @p2 $0x1082  }
0x22: {  	[simem:s7], [sflag:s8] =	dma.local @!p0 [hbm:s6], $0xF7A  }
0x23: {  	s9 =	sor.u32 $0xD0000000, s2;
	s6 =	simm.s32 $0x108;
	_ =	swait.ge @!p0 [sflag:s8], $0x0  }
0x24: {  	s3 =	sadd.s32 $0x88, s3;
	s6 =	simm.s32 @!p1 $0x1082;
	[sflag:s4] =	ssyncset.s32 $0xFFFFF086  }
0x25: {  	[simem:s6], [sflag:s4] =	dma.local [hbm:s3], $0xF7A  }
0x26: {  	[smem:$0x3F9F] =	sst s1;
	(tag) =	ssettag s2;
	_ =	strace s9  }
0x27: {  	s1 =	sld [smem:$0x3FAF]  }
0x28: {  	s2 =	sld [smem:$0x3FB0]  }
0x29: {  	s4 =	sld [smem:$0x3FB2]  }
0x2a: {  	p0 =	seq.s32 s5, $0x0;
	s5 =	sld [smem:$0x3FB3]  }
0x2b: {  	s6 =	sld [smem:$0x3FB4]  }
0x2c: {  	s7 =	sld [smem:$0x3FB5]  }
0x2d: {  	s3 =	simm.s32 $0x108;
	s8 =	sld [smem:$0x3FB6]  }
0x2e: {  	s3 =	simm.s32 @!p0 $0x1082;
	s9 =	sld [smem:$0x3FB7]  }
0x2f: {  	lr =	sadd.s32 s0, s3;
	s0 =	sld [smem:$0x3FAE]  }
0x30: {  	s3 =	sld [smem:$0x3FB1]  }
0x31: {  	[smem:$0x3FBA] =	sst s10  }
0x32: {  	s10 =	sld [smem:$0x3FB8];
	_ =	sdelay $0x3  }
0x33: {  	p0 =	seq.s32 s10, $0x1;
	s10 =	sld [smem:$0x3FBA];
	_ =	sdelay $0x3  }
0x34: {  	[smem:$0x3FBA] =	sst s10  }
0x35: {  	s10 =	sld [smem:$0x3FB9];
	_ =	sdelay $0x3  }
0x36: {  	p1 =	seq.s32 s10, $0x1;
	s10 =	sld [smem:$0x3FBA];
	_ =	sdelay $0x3  }
0x37: {  	[smem:$0x3FBA] =	sst s10  }
0x38: {  	s10 =	sld [smem:$0x3FBB]  }
0x39: {  	_ = 	snop;
	(pc) =	sbr.ind lr, $3  }
0x3a: {  	_ = 	snop  }
0x3b: {  	_ = 	snop  }
0x3c: {  	p2 =	seq.s32 s10, $0x1;
	s10 =	sld [smem:$0x3FBA]  }
0x3d: {  	_ =	shalt  }
0x3e: {  	_ =	shalt  }
0x3f: {  	_ =	shalt  }
0x40: {  	_ =	shalt  }
0x41: {  	_ =	shalt  }
0x42: {  	_ =	shalt  }
0x43: {  	_ =	shalt  }
0x44: {  	_ =	shalt  }
0x45: {  	_ =	shalt  }
0x46: {  	_ =	shalt  }
0x47: {  	_ =	shalt  }
0x48: {  	_ =	shalt  }
0x49: {  	_ =	shalt  }
0x4a: {  	_ =	shalt  }
0x4b: {  	_ =	shalt  }
0x4c: {  	_ =	shalt  }
0x4d: {  	_ =	shalt  }
0x4e: {  	_ =	shalt  }
0x4f: {  	_ =	shalt  }
0x50: {  	_ =	shalt  }
0x51: {  	_ =	shalt  }
0x52: {  	_ =	shalt  }
0x53: {  	_ =	shalt  }
0x54: {  	_ =	shalt  }
0x55: {  	_ =	shalt  }
0x56: {  	_ =	shalt  }
0x57: {  	_ =	shalt  }
0x58: {  	_ =	shalt  }
0x59: {  	_ =	shalt  }
0x5a: {  	_ =	shalt  }
0x5b: {  	_ =	shalt  }
0x5c: {  	_ =	shalt  }
0x5d: {  	_ =	shalt  }
0x5e: {  	_ =	shalt  }
0x5f: {  	_ =	shalt  }
0x60: {  	_ =	shalt  }
0x61: {  	_ =	shalt  }
0x62: {  	_ =	shalt  }
0x63: {  	_ =	shalt  }
0x64: {  	_ =	shalt  }
0x65: {  	_ =	shalt  }
0x66: {  	_ =	shalt  }
0x67: {  	_ =	shalt  }
0x68: {  	_ =	shalt  }
0x69: {  	_ =	shalt  }
0x6a: {  	_ =	shalt  }
0x6b: {  	_ =	shalt  }
0x6c: {  	_ =	shalt  }
0x6d: {  	_ =	shalt  }
0x6e: {  	_ =	shalt  }
0x6f: {  	_ =	shalt  }
0x70: {  	_ =	shalt  }
0x71: {  	_ =	shalt  }
0x72: {  	_ =	shalt  }
0x73: {  	_ =	shalt  }
0x74: {  	_ =	shalt  }
0x75: {  	_ =	shalt  }
0x76: {  	_ =	shalt  }
0x77: {  	_ =	shalt  }
0x78: {  	_ =	shalt  }
0x79: {  	_ =	shalt  }
0x7a: {  	_ =	shalt  }
0x7b: {  	_ =	shalt  }
0x7c: {  	_ =	shalt  }
0x7d: {  	_ =	shalt  }
0x7e: {  	_ =	shalt  }
0x7f: {  	_ =	shalt  }
0x80: {  	_ =	shalt  }
0x81: {  	_ =	shalt  }
0x82: {  	_ =	shalt  }
0x83: {  	_ =	shalt  }
0x84: {  	_ =	shalt  }
0x85: {  	_ =	shalt  }
0x86: {  	_ =	shalt  }
0x87: {  	_ =	shalt  }
.Lfunc_end0:
.L_simem_size_0:
called_computation_lowered:
.L_overlay_start_0:
0x88: {  	s2 =	sld [smem:$0x3FD9]  }
0x89: {  	s3 =	sld [smem:$0x3FFE];
	_ =	sdelay $0x1  }
0x8a: {  	s1 =	srdreg.scid  }
0x8b: {  	s0 =	sand.u32 $0x1, s1  }
0x8c: {  	s18 =	sshll.u32 s0, $0xA;
	s2 =	sadd.s32 s3, s2  }
0x8d: {  	s2 =	sadd.s32 s2, s18  }
0x8e: {  	[smem:$0x3FC6] =	sst s2  }
0x8f: {  	_ = 	snop  }
0x90: {  	s2 =	sld [smem:$0x3FC9]  }
0x91: {  	s19 =	sld [smem:$0x3FC8]  }
0x92: {  	s4 =	sld [smem:$0x3FD0];
	(tm) =	ssettm $0x1  }
0x93: {  	s5 =	sld [smem:$0x3FFB];
	_ =	sdelay $0x3  }
0x94: {  	_ =	strace s5  }
0x95: {  	s5 =	sld [smem:$0x3FFC];
	_ =	sdelay $0x3  }
0x96: {  	_ =	strace s5  }
0x97: {  	s5 =	sld [smem:$0x3FFD];
	_ =	sdelay $0x3  }
0x98: {  	_ =	strace s5  }
0x99: {  	_ =	strace $0x8FFFFFFF  }
0x9a: {  	s20 =	sld [smem:$0x3FDB];
	_ =	sdelay $0x1  }
0x9b: {  	s6 =	simm.s32 $_scs_section_size  }
0x9c: {  	s7 =	simm.s32 $_size__tile_overlayer_lowered;
	s8 =	simm.s32 $_tile_overlayer_lowered  }
0x9d: {  	s23 =	simm.s32 $0x1BFF;
	s22 =	sshll.u32 s8, $0x1;
	s5 =	sadd.s32 s6, s20  }
0x9e: {  	s9 =	simm.s32 $0x0;
	s21 =	sshll.u32 s7, $0x1;
	s7 =	sadd.s32 s22, s5  }
0x9f: {  	[timem:s9], [sflag:s23] =	dma.local [hbm:s7], s21  }
0xa0: {  	_ =	swait.ge [sflag:s23], s21  }
0xa1: {  	s6 =	ssub.s32 $0x0, s21;
	[sflag:s23] =	ssyncset.done $0x0  }
0xa2: {  	[sflag:s23] =	ssyncadd.s32 s6;
	_ =	sdelay $0x1  }
0xa3: {  	s24 =	simm.s32 $0x1B8B  }
0xa4: {  	_ =	swait.ge [sflag:s24], $0x1  }
0xa5: {  	[sflag:s24] =	ssyncset.done $0x0  }
0xa6: {  	s25 =	simm.s32 $0x1B8E;
	[sflag:s24] =	ssyncadd.s32 $0xFFFFFFFF  }
0xa7: {  	s26 =	simm.s32 $execute0_lowered;
	[smem:$0x3FD2] =	sst s25  }
0xa8: {  	s6 =	sshll.u32 s26, $0x1;
	_ =	strace $0x80000046;
	[dreg:$0x1] =	wrdreg $0xFFFFFFFF  }
0xa9: {  	s28 =	simm.s32 $_size_execute0_lowered;
	s5 =	sadd.s32 s5, s6;
	[dreg:$0x0] =	wrdreg $0x0  }
0xaa: {  	s6 =	sshll.u32 s28, $0x1;
	[dreg:$0x2] =	wrdreg s5  }
0xab: {  	[dreg:$0x3] =	wrdreg s6  }
0xac: {  	[dreg:$0x4] =	wrdreg $0xC0  }
0xad: {  	_ =	task [dreg:s9], $0x5FFFF  }
0xae: {  	[dreg:$0x1] =	wrdreg $0xFFFFFFFF  }
0xaf: {  	[dreg:$0x0] =	wrdreg $0x60  }
0xb0: {  	[dreg:$0x2] =	wrdreg s2  }
0xb1: {  	[dreg:$0x3] =	wrdreg s19  }
0xb2: {  	[dreg:$0x4] =	wrdreg s4  }
0xb3: {  	[dreg:$0x5] =	wrdreg $0x9  }
0xb4: {  	_ =	task.clear_ibuf [dreg:s9], $0x6FFFF;
	_ =	strace $0x90000046  }
0xb5: {  	s29 =	simm.s32 $0x9;
	_ =	strace $0x80000048  }
0xb6: {  	_ =	swait.ge [sflag:s29], $0x1  }
0xb7: {  	[sflag:s29] =	ssyncadd.s32 $0xFFFFFFFF  }
0xb8: {  	_ =	strace $0x90000048  }
0xb9: {  	_ =	sfence  }
0xba: {  	s30 =	sld [smem:$0x0];
	_ =	sdelay $0x2  }
0xbb: {  	s31 =	sshll.u32 s1, $0xD;
	s1 =	sshrl.u32 s1, $0x2  }
0xbc: {  	s3 =	sand.u32 $0x4000, s31;
	s1 =	sadd.s32 s1, s30  }
0xbd: {  	s0 =	sor.u32 s3, s0;
	s1 =	sshll.u32 s1, $0x11  }
0xbe: {  	s0 =	sor.u32 s1, s0  }
0xbf: {  	s0 =	sadd.s32 $0x8F2B, s0  }
0xc0: {  	[sflag:s0] =	ssyncadd.remote.s32 $0x1  }
0xc1: {  	_ =	sfence.sel $0xFFFF  }
0xc2: {  	[dreg:$0x0] =	wrdreg $0xFFFFFFFF;
	(pc) =	sbr.abs _section_cstart, $3  }
0xc3: {  	[dreg:$0x1] =	wrdreg $0xFFFFFFFF  }
0xc4: {  	_ =	task.clear_ibuf [dreg:s9], $0x2FFFF;
	_ =	strace $0x9FFFFFFF  }
0xc5: {  	(tm) =	ssettm $0x7FFFFFFF  }
tec
execute0_lowered:
.L_overlay_start_1:
0x0: {  	(tag) =	ssettag $0x1  }
0x1: {  	s1 =	rddreg [dreg:$0x0]  }
0x2: {  	s0 =	srdreg.scid;
	s2 =	rddreg [dreg:$0x1]  }
0x3: {  	s6 =	stileid.u32;
	s3 =	rddreg [dreg:$0x2];
	s5 =	simm.s32 $0x1  }
0x4: {  	s15 =	simm.s32 $0x5;
	s16 =	simm.s32 $0x80;
	s17 =	simm.s32 $0x100  }
0x5: {  	s18 =	simm.s32 $0x400;
	s19 =	simm.s32 $0x180;
	s0 =	sand.u32 $0x1, s0  }
0x6: {  	s20 =	simm.s32 $0x2180;
	s21 =	simm.s32 $0x4180;
	s4 =	sor.u32 s0, s6  }
0x7: {  	s22 =	simm.s32 $0x2;
	p1 =	seq.s32 s0, $0x1;
	p0 =	seq.s32 s4, $0x0  }
0x8: {  	s23 =	simm.s32 $0x6180;
	s24 =	simm.s32 $0x3;
	p0 =	por !p0, !p1  }
0x9: {  	s25 =	ssub.s32 $0x2, s0;
	s28 =	sshll.u32 s0, $0x14;
	p0 =	por !p0, !p0  }
0xa: {  	s4 =	simm.s32 $0x0;
	s8 =	sshrl.u32 s25, $0x1;
	s5 =	simm.s32 @!p0 $0x0  }
0xb: {  	[smem:$0x7FF] =	sst s4;
	s8 =	ssub.s32 s25, s8;
	s5 =	ssub.s32 s6, s5  }
0xc: {  	s25 =	simm.s32 $0x4;
	s7 =	sshrl.u32 s5, $0x3;
	s5 =	sshll.u32 s5, $0x7  }
0xd: {  	_ =	strace $0x80000047;
	s9 =	sshll.u32 s7, $0xA;
	s5 =	sand.u32 $0x380, s5  }
0xe: {  	s13 =	smax.u32 s8, $0x1;
	s7 =	sshll.u32 s7, $0x15;
	s26 =	sor.u32 s5, s9  }
0xf: {  	s14 =	sor.u32 s7, s5;
	s5 =	simm.s32 $0x1;
	s7 =	sshll.u32 s0, $0x11  }
0x10: {  	s6 =	sshrl.u32 s26, $0x3;
	s29 =	sor.u32 s28, s14;
	s10 =	sor.u32 $0x1E000, s7  }
0x11: {  	s14 =	sshrl.u32 s14, $0x3;
	s6 =	sadd.s32 s2, s6;
	s31 =	sshrl.u32 s29, $0x3  }
0x12: {  	s26 =	simm.s32 $0x0;
	s30 =	sadd.s32 $0x2, s6;
	s11 =	sadd.s32 s1, s31  }
0x13: {  	v0 =	vimm.s32 $0x0;
	s9 =	sadd.s32 $0x4, s6;
	[dreg:$0x4] =	wrdreg s30;
	s12 =	sadd.s32 $0x2000, s11  }
.LBB2_1:
0x14: {  	[tilespmem:s4], [sflag:$0x5] =	stream.linear.gather [hbm4b:s6+s4], $0x10, $0x38;
	[tilespmem:$0x8180] =	vst v63  }
0x15: {  	_ =	swait.ge [sflag:s15], $0x10  }
0x16: {  	[sflag:s15] =	ssyncset.done $0x0  }
0x17: {  	s0 =	rddreg [dreg:$0x4];
	[sflag:s15] =	ssyncadd.s32 $0xFFFFFFF0  }
0x18: {  	[tilespmem:s16], [sflag:$0x5] =	stream.linear.gather [hbm4b:s0+s4], $0x10, $0x38;
	[tilespmem:$0x8180] =	vst v63  }
0x19: {  	_ =	swait.ge [sflag:s15], $0x10  }
0x1a: {  	[sflag:s15] =	ssyncset.done $0x0  }
0x1b: {  	[sflag:s15] =	ssyncadd.s32 $0xFFFFFFF0  }
0x1c: {  	[tilespmem:s17], [sflag:$0x5] =	stream.linear.gather [hbm4b:s9+s4], $0x20, $0x38;
	[tilespmem:$0x8180] =	vst v63  }
0x1d: {  	_ =	swait.ge [sflag:s15], $0x20  }
0x1e: {  	[sflag:s15] =	ssyncset.done $0x0  }
0x1f: {  	[sflag:s15] =	ssyncadd.s32 $0xFFFFFFE0  }
0x20: {  	v3 =	vld [tilespmem:$0x0];
	_ =	sdelay $0x3  }
0x21: {  	[tilespmem:s19], [sflag:$0x1] =	stream.strided.gather [hbm4b:s11+s16], $0x2000, s18, s16, $0x38;
	[tilespmem:$0x8180] =	vst v63  }
0x22: {  	s28 =	simm.s32 $0x0;
	v1 =	vbroadcast v3, $0x7  }
0x23: {  	[tilespmem:s20], [sflag:$0x2] =	stream.strided.gather [hbm4b:s12+s16], $0x2000, s18, s16, $0x38;
	v2 =	vbroadcast v3, $0xB;
	v3 =	vbroadcast v3, $0x3;
	[tilespmem:$0x8180] =	vst v63  }
.LBB2_2:
0x24: {  	_ =	swait.ge [sflag:s5], $0x2000  }
0x25: {  	p0 =	seq.s32 s28, $0x0;
	[sflag:s5] =	ssyncset.done $0x0  }
0x26: {  	s0 =	simm.s32 @!p0 $0x3;
	[sflag:s5] =	ssyncadd.s32 $0xFFFFE000  }
0x27: {  	_ =	swait.ge @!p0 [sflag:s0], $0x2000  }
0x28: {  	[sflag:s0] =	ssyncset.done @!p0 $0x0  }
0x29: {  	s8 =	simm.s32 $0x1A0;
	[sflag:s0] =	ssyncadd.s32 @!p0 $0xFFFFE000  }
0x2a: {  	v7 =	vld [tilespmem:s8+$0x10];
	_ =	sdelay $0x1  }
0x2b: {  	v19 =	vld [tilespmem:s8+$0x0]  }
0x2c: {  	v11 =	vld [tilespmem:s8+$0xFFFFFFE0]  }
0x2d: {  	v15 =	vld [tilespmem:s8+$0xFFFFFFF0]  }
0x2e: {  	vm0 =	vgt.f32 v7, v1  }
0x2f: {  	v4 =	vsel vm0, $0x8, v0;
	v5 =	vsel vm0, v2, v3  }
0x30: {  	vm0 =	vgt.f32 v7, v5;
	v5 =	vor.u32 $0x4, v4  }
0x31: {  	vm1 =	vgt.f32 v19, v1;
	vm2 =	vgt.f32 v11, v1;
	v8 =	vsel vm0, v5, v4  }
0x32: {  	v6 =	vsel vm2, v2, v3;
	v13 =	vsel vm1, v2, v3;
	vm0 =	vgt.f32 v15, v1  }
0x33: {  	s2 =	simm.s32 $0x1E0;
	v5 =	vsel vm0, $0x8, v0;
	v10 =	vsel vm0, v2, v3;
	vm0 =	vgt.f32 v11, v6  }
0x34: {  	v12 =	vld [tilespmem:s2+$0x10];
	v6 =	vsel vm1, $0x8, v0;
	vm1 =	vgt.f32 v15, v10;
	v10 =	vor.u32 $0x4, v5  }
0x35: {  	v10 =	vsel vm1, v10, v5;
	v5 =	vld [tilespmem:s2+$0xFFFFFFE0]  }
0x36: {  	v4 =	vsel vm2, $0x8, v0;
	v9 =	vld.idx.msk [tilespmem:v8+s16+$0x0], $0xffff  }
0x37: {  	v14 =	vor.u32 $0x4, v4  }
0x38: {  	v14 =	vsel vm0, v14, v4;
	vm0 =	vgt.f32 v19, v13;
	v13 =	vor.u32 $0x4, v6  }
0x39: {  	v13 =	vsel vm0, v13, v6;
	v6 =	vld [tilespmem:s2+$0x0]  }
0x3a: {  	v4 =	vld [tilespmem:s2+$0xFFFFFFF0];
	vm1 =	vgt.f32 v12, v1  }
0x3b: {  	vm2 =	vgt.f32 v5, v1;
	vm0 =	vgt.f32 v7, v9;
	v9 =	vor.u32 $0x2, v8  }
0x3c: {  	v17 =	vor.u32 $0x2, v14;
	v25 =	vsel vm2, $0x8, v0;
	v16 =	vsel vm0, v9, v8  }
0x3d: {  	v26 =	vsel vm2, v2, v3;
	v8 =	vsel vm1, $0x8, v0;
	v9 =	vsel vm1, v2, v3  }
0x3e: {  	v18 =	vld.idx.msk [tilespmem:v14+s16+$0x0], $0xffff;
	vm1 =	vgt.f32 v6, v1;
	vm0 =	vgt.f32 v12, v9;
	v9 =	vor.u32 $0x4, v8  }
0x3f: {  	v28 =	vsel vm1, v2, v3;
	v20 =	vsel vm0, v9, v8;
	vm0 =	vgt.f32 v4, v1;
	v8 =	vld.idx.msk [tilespmem:v10+s16+$0x0], $0xffff  }
0x40: {  	v9 =	vld.idx.msk [tilespmem:v13+s16+$0x0], $0xffff;
	v23 =	vsel vm0, $0x8, v0;
	v27 =	vsel vm0, v2, v3;
	vm0 =	vgt.f32 v5, v26  }
0x41: {  	s8 =	simm.s32 $0x220;
	v26 =	vsel vm1, $0x8, v0;
	vm1 =	vgt.f32 v4, v27;
	v27 =	vor.u32 $0x4, v23;
	v24 =	vld.idx.msk [tilespmem:v16+s4+$0x0], $0xffff  }
0x42: {  	v21 =	vor.u32 $0x2, v10;
	v29 =	vor.u32 $0x4, v25;
	v23 =	vsel vm1, v27, v23;
	v27 =	vld [tilespmem:s8+$0x10]  }
0x43: {  	v25 =	vsel vm0, v29, v25;
	vm0 =	vgt.f32 v6, v28;
	v28 =	vor.u32 $0x4, v26  }
0x44: {  	v22 =	vor.u32 $0x2, v13;
	v26 =	vsel vm0, v28, v26;
	vm0 =	vgt.f32 v11, v18;
	v30 =	vld.idx.msk [tilespmem:v20+s16+$0x0], $0xffff  }
0x45: {  	v18 =	vor.u32 $0x2, v25;
	v29 =	vor.u32 $0x2, v26;
	vm1 =	vgt.f32 v15, v8;
	v8 =	vld [tilespmem:s8+$0x0]  }
0x46: {  	v31 =	vsel vm0, v17, v14;
	vm2 =	vgt.f32 v19, v9;
	v9 =	vld [tilespmem:s8+$0xFFFFFFE0];
	v21 =	vsel vm1, v21, v10  }
0x47: {  	v22 =	vsel vm2, v22, v13;
	vm3 =	vgt.f32 v7, v24;
	vm0 =	vgt.f32 v27, v1  }
0x48: {  	v7 =	vld [tilespmem:s8+$0xFFFFFFF0];
	v24 =	vor.u32 $0x2, v23;
	v28 =	vsel vm3, $0x1, v0;
	v13 =	vsel vm0, $0x8, v0  }
0x49: {  	vm3 =	vgt.f32 v12, v30;
	v30 =	vor.u32 $0x2, v20;
	v28 =	vor.u32 v28, v16  }
0x4a: {  	v10 =	vld.idx.msk [tilespmem:v25+s16+$0x0], $0xffff;
	v16 =	vsel vm0, v2, v3;
	vm0 =	vgt.f32 v8, v1;
	v14 =	vsel vm3, v30, v20  }
0x4b: {  	v36 =	vld.idx.msk [tilespmem:v31+s4+$0x0], $0xffff;
	vm2 =	vgt.f32 v27, v16;
	v16 =	vor.u32 $0x4, v13;
	vm3 =	vgt.f32 v9, v1  }
0x4c: {  	v20 =	vld.idx.msk [tilespmem:v23+s16+$0x0], $0xffff;
	v53 =	vsel vm0, $0x8, v0;
	v35 =	vsel vm0, v2, v3;
	v32 =	vsel vm2, v16, v13  }
0x4d: {  	v30 =	vld.idx.msk [tilespmem:v26+s16+$0x0], $0xffff;
	v16 =	vsel vm3, $0x8, v0;
	v33 =	vsel vm3, v2, v3;
	vm1 =	vgt.f32 v7, v1  }
0x4e: {  	v38 =	vld.idx.msk [tilespmem:v21+s4+$0x0], $0xffff;
	v55 =	vor.u32 $0x4, v53;
	v37 =	vor.u32 $0x4, v16;
	v34 =	vsel vm1, v2, v3  }
0x4f: {  	v17 =	vsel vm1, $0x8, v0;
	vm1 =	vgt.f32 v9, v33;
	vm0 =	vgt.f32 v7, v34;
	v13 =	vld.idx.msk [tilespmem:v14+s4+$0x0], $0xffff  }
0x50: {  	v54 =	vor.u32 $0x4, v17;
	v37 =	vsel vm1, v37, v16;
	vm1 =	vgt.f32 v8, v35  }
0x51: {  	v16 =	vsel vm0, v54, v17;
	v17 =	vsel vm1, v55, v53;
	vm0 =	vgt.f32 v5, v10;
	v56 =	vld.idx.msk [tilespmem:v32+s16+$0x0], $0xffff  }
0x52: {  	s2 =	simm.s32 $0x260;
	v57 =	vld.idx.msk [tilespmem:v22+s4+$0x0], $0xffff;
	vm1 =	vgt.f32 v4, v20;
	vm2 =	vgt.f32 v6, v30;
	v39 =	vor.u32 $0x2, v37  }
0x53: {  	v10 =	vld [tilespmem:s2+$0x10];
	v18 =	vsel vm0, v18, v25;
	vm0 =	vgt.f32 v11, v36;
	v11 =	vsel vm1, v24, v23  }
0x54: {  	v23 =	vsel vm0, $0x1, v0;
	vm0 =	vgt.f32 v15, v38;
	v15 =	vld [tilespmem:s2+$0xFFFFFFE0];
	vm3 =	vgt.f32 v12, v13  }
0x55: {  	v28 =	vld.idx.msk [tilespmem:v28+s17+$0x0], $0xffff;
	v20 =	vor.u32 $0x2, v16;
	v24 =	vor.u32 $0x2, v32;
	v12 =	vsel vm3, $0x1, v0  }
0x56: {  	v35 =	vor.u32 $0x2, v17;
	v13 =	vld [tilespmem:s2+$0xFFFFFFF0];
	vm1 =	vgt.f32 v27, v56;
	v25 =	vor.u32 v12, v14  }
0x57: {  	v59 =	vld.idx.msk [tilespmem:v16+s16+$0x0], $0xffff;
	v14 =	vsel vm2, v29, v26;
	vm2 =	vgt.f32 v19, v57;
	v19 =	vsel vm0, $0x1, v0  }
0x58: {  	v12 =	vld [tilespmem:s2+$0x0];
	v58 =	vsel vm1, v24, v32;
	v24 =	vor.u32 v23, v31;
	vm0 =	vgt.f32 v10, v1  }
0x59: {  	v31 =	vld.idx.msk [tilespmem:v37+s16+$0x0], $0xffff;
	vm3 =	vgt.f32 v15, v1;
	v23 =	vsel vm2, $0x1, v0;
	v21 =	vor.u32 v19, v21  }
0x5a: {  	v40 =	vld.idx.msk [tilespmem:v17+s16+$0x0], $0xffff;
	v19 =	vsel vm0, $0x8, v0;
	v22 =	vor.u32 v23, v22;
	v23 =	vsel vm0, v2, v3  }
0x5b: {  	v29 =	vld.idx.msk [tilespmem:v18+s4+$0x0], $0xffff;
	v26 =	vsel vm3, $0x8, v0;
	vm2 =	vgt.f32 v10, v23;
	v23 =	vor.u32 $0x4, v19  }
0x5c: {  	vm1 =	vgt.f32 v13, v1;
	v23 =	vsel vm2, v23, v19;
	v19 =	vsel vm3, v2, v3;
	v30 =	vld.idx.msk [tilespmem:v25+s17+$0x0], $0xffff  }
0x5d: {  	v60 =	vsel vm1, v2, v3;
	vm0 =	vgt.f32 v12, v1;
	v25 =	vsel vm1, $0x8, v0;
	v41 =	vld.idx.msk [tilespmem:v58+s4+$0x0], $0xffff  }
0x5e: {  	v32 =	vld.idx.msk [tilespmem:v11+s4+$0x0], $0xffff;
	vm1 =	vgt.f32 v15, v19;
	v19 =	vor.u32 $0x4, v26;
	vm2 =	vgt.f32 v9, v31  }
0x5f: {  	v33 =	vld.idx.msk [tilespmem:v14+s4+$0x0], $0xffff;
	v61 =	vsel vm0, $0x8, v0;
	v62 =	vsel vm0, v2, v3;
	vm0 =	vgt.f32 v13, v60  }
0x60: {  	s31 =	simm.s32 $0x41A0;
	v42 =	vor.u32 $0x4, v25;
	v19 =	vsel vm1, v19, v26;
	v26 =	vld.idx.msk [tilespmem:v24+s17+$0x0], $0xffff;
	vm1 =	vgt.f32 v12, v62  }
0x61: {  	[tilespmem:s31+$0x10] =	vst v28;
	v28 =	vld.idx.msk [tilespmem:v21+s17+$0x0], $0xffff;
	v43 =	vor.u32 $0x4, v61;
	v25 =	vsel vm0, v42, v25;
	vm0 =	vgt.f32 v7, v59  }
0x62: {  	v21 =	vor.u32 $0x2, v19;
	v24 =	vsel vm1, v43, v61;
	v36 =	vld.idx.msk [tilespmem:v23+s16+$0x0], $0xffff;
	vm3 =	vgt.f32 v27, v41  }
0x63: {  	s30 =	simm.s32 $0x41E0;
	s8 =	sshll.u32 s28, $0xE;
	vm1 =	vgt.f32 v8, v40;
	v31 =	vor.u32 $0x2, v25;
	v63 =	vsel vm3, $0x1, v0  }
0x64: {  	s0 =	simm.s32 $0x2A0;
	s29 =	sadd.s32 s7, s8;
	s2 =	simm.s32 $0xC;
	[tilespmem:s30+$0x10] =	vst v30;
	v30 =	vld.idx.msk [tilespmem:v22+s17+$0x0], $0xffff;
	v27 =	vor.u32 $0x2, v24;
	v22 =	vsel vm2, v39, v37;
	v34 =	vor.u32 v63, v58  }
.LBB2_3:
0x65: {  	v37 =	vld [tilespmem:s0+$0x10];
	s2 =	sadd.s32 $0x4, s2;
	v16 =	vsel vm0, v20, v16;
	v17 =	vsel vm1, v35, v17;
	vm0 =	vgt.f32 v5, v29;
	v5 =	vmovc v9  }
0x66: {  	vm1 =	vgt.f32 v6, v33;
	v20 =	vld [tilespmem:s0+$0xFFFFFFF0];
	p1 =	slt.u32 s2, $0x1FC;
	v9 =	vsel vm0, $0x1, v0;
	vm0 =	vgt.f32 v4, v32;
	[tilespmem:s31+$0xFFFFFFE0] =	vst v26;
	v4 =	vmovc v7  }
0x67: {  	v29 =	vor.u32 $0x2, v23;
	v6 =	vmovc v8;
	vm2 =	vgt.f32 v10, v36;
	v7 =	vmovc v13;
	v26 =	vld [tilespmem:s0+$0x0];
	v32 =	vsel vm0, $0x1, v0  }
0x68: {  	v8 =	vmovc v12;
	v13 =	vsel vm1, $0x1, v0;
	v38 =	vsel vm2, v29, v23;
	v36 =	vor.u32 v9, v18;
	v33 =	vld [tilespmem:s0+$0xFFFFFFE0];
	[tilespmem:s31+$0xFFFFFFF0] =	vst v28  }
0x69: {  	v28 =	vor.u32 v32, v11;
	v11 =	vmov v16;
	v18 =	vld.idx.msk [tilespmem:v34+s17+$0x0], $0xffff;
	v34 =	vor.u32 v13, v14;
	[tilespmem:s31+$0x0] =	vst v30;
	s31 =	smov.u32 s30  }
0x6a: {  	v16 =	vmovc v25;
	v14 =	vmovc v17;
	v9 =	vmov v15;
	v17 =	vmov v24;
	vm0 =	vgt.f32 v37, v1;
	v30 =	vld.idx.msk [tilespmem:v19+s16+$0x0], $0xffff  }
0x6b: {  	vm1 =	vgt.f32 v20, v1;
	v29 =	vsel vm0, $0x8, v0;
	v23 =	vsel vm0, v2, v3;
	v39 =	vld.idx.msk [tilespmem:v25+s16+$0x0], $0xffff;
	v13 =	vmovc v20  }
0x6c: {  	vm0 =	vgt.f32 v26, v1;
	vm2 =	vgt.f32 v37, v23;
	v32 =	vor.u32 $0x4, v29;
	v40 =	vld.idx.msk [tilespmem:v24+s16+$0x0], $0xffff;
	v12 =	vmovc v26  }
0x6d: {  	v24 =	vsel vm1, $0x8, v0;
	vm3 =	vgt.f32 v33, v1;
	v23 =	vsel vm2, v32, v29;
	v41 =	vld.idx.msk [tilespmem:v38+s4+$0x0], $0xffff;
	v15 =	vmovc v33  }
0x6e: {  	s30 =	sadd.s32 $0x40, s30;
	v20 =	vmovc v31;
	v33 =	vsel vm1, v2, v3;
	v25 =	vsel vm3, $0x8, v0;
	v26 =	vsel vm3, v2, v3;
	v29 =	vld.idx.msk [tilespmem:v22+s4+$0x0], $0xffff  }
0x6f: {  	v31 =	vsel vm0, $0x8, v0;
	vm1 =	vgt.f32 v15, v26;
	v26 =	vsel vm0, v2, v3;
	v32 =	vld.idx.msk [tilespmem:v11+s4+$0x0], $0xffff;
	[tilespmem:s30+$0x10] =	vst v18  }
0x70: {  	v35 =	vmovc v27;
	v43 =	vor.u32 $0x4, v24;
	v42 =	vor.u32 $0x4, v25;
	vm0 =	vgt.f32 v13, v33;
	v18 =	vmovc v22;
	v33 =	vld.idx.msk [tilespmem:v14+s4+$0x0], $0xffff  }
.Ltmp0:
0x71: {  	v22 =	vor.u32 $0x4, v31;
	v42 =	vsel vm1, v42, v25;
	vm1 =	vgt.f32 v12, v26;
	v26 =	vld.idx.msk [tilespmem:v36+s17+$0x0], $0xffff;
	(pc) =	sbr.rel @p1 .LBB2_3-.Ltmp0, $4  }
0x72: {  	vm2 =	vgt.f32 v9, v30;
	v25 =	vsel vm0, v43, v24;
	v24 =	vsel vm1, v22, v31;
	v36 =	vld.idx.msk [tilespmem:v23+s16+$0x0], $0xffff  }
0x73: {  	vm0 =	vgt.f32 v7, v39;
	vm1 =	vgt.f32 v8, v40;
	vm3 =	vgt.f32 v10, v41;
	v28 =	vld.idx.msk [tilespmem:v28+s17+$0x0], $0xffff  }
0x74: {  	v39 =	vor.u32 $0x2, v42;
	v31 =	vor.u32 $0x2, v25;
	v10 =	vmovc v37;
	v40 =	vsel vm3, $0x1, v0;
	v30 =	vld.idx.msk [tilespmem:v34+s17+$0x0], $0xffff  }
0x75: {  	s0 =	sadd.s32 $0x40, s0;
	v22 =	vsel vm2, v21, v19;
	v19 =	vmovc v42;
	v27 =	vor.u32 $0x2, v24;
	v21 =	vmovc v39;
	v34 =	vor.u32 v40, v38  }
0x76: {  	_ =	sdelay $0x3  }
0x77: {  	v37 =	vld.idx.msk [tilespmem:v19+s16+$0x0], $0xffff  }
0x78: {  	v44 =	vor.u32 $0x2, v23;
	v38 =	vld.idx.msk [tilespmem:v25+s16+$0x0], $0xffff;
	vm2 =	vgt.f32 v10, v36  }
0x79: {  	v45 =	vld.idx.msk [tilespmem:v24+s16+$0x0], $0xffff;
	v23 =	vsel vm2, v44, v23;
	_ =	sdelay $0x1  }
0x7a: {  	v16 =	vsel vm0, v20, v16  }
0x7b: {  	v17 =	vsel vm1, v35, v17;
	vm0 =	vgt.f32 v15, v37  }
0x7c: {  	vm1 =	vgt.f32 v13, v38;
	v19 =	vsel vm0, v21, v19  }
0x7d: {  	vm0 =	vgt.f32 v12, v45;
	v21 =	vsel vm1, v31, v25;
	v20 =	vld.idx.msk [tilespmem:v23+s4+$0x0], $0xffff  }
0x7e: {  	v25 =	vld.idx.msk [tilespmem:v22+s4+$0x0], $0xffff;
	v24 =	vsel vm0, v27, v24  }
0x7f: {  	vm0 =	vgt.f32 v5, v29;
	v5 =	vld.idx.msk [tilespmem:v16+s4+$0x0], $0xffff  }
0x80: {  	v27 =	vsel vm0, $0x1, v0;
	vm0 =	vgt.f32 v4, v32;
	v4 =	vld.idx.msk [tilespmem:v17+s4+$0x0], $0xffff  }
0x81: {  	vm1 =	vgt.f32 v6, v33;
	v6 =	vsel vm0, $0x1, v0;
	v18 =	vor.u32 v27, v18;
	v27 =	vld.idx.msk [tilespmem:v19+s4+$0x0], $0xffff  }
0x82: {  	v29 =	vsel vm1, $0x1, v0;
	v6 =	vor.u32 v6, v11;
	vm0 =	vgt.f32 v10, v20;
	v10 =	vld.idx.msk [tilespmem:v21+s4+$0x0], $0xffff  }
0x83: {  	v11 =	vor.u32 v29, v14;
	v14 =	vsel vm0, $0x1, v0;
	vm0 =	vgt.f32 v9, v25;
	v9 =	vld.idx.msk [tilespmem:v24+s4+$0x0], $0xffff  }
0x84: {  	v14 =	vor.u32 v14, v23;
	v20 =	vsel vm0, $0x1, v0;
	vm0 =	vgt.f32 v7, v5  }
0x85: {  	vm1 =	vgt.f32 v8, v4;
	v5 =	vld.idx.msk [tilespmem:v34+s17+$0x0], $0xffff;
	v4 =	vsel vm0, $0x1, v0;
	v7 =	vor.u32 v20, v22  }
0x86: {  	v8 =	vld.idx.msk [tilespmem:v18+s17+$0x0], $0xffff;
	v18 =	vsel vm1, $0x1, v0;
	v4 =	vor.u32 v4, v16;
	vm0 =	vgt.f32 v15, v27  }
0x87: {  	[tilespmem:s31+$0xFFFFFFE0] =	vst v26;
	v6 =	vld.idx.msk [tilespmem:v6+s17+$0x0], $0xffff;
	v15 =	vor.u32 v18, v17;
	v16 =	vsel vm0, $0x1, v0;
	vm0 =	vgt.f32 v13, v10  }
0x88: {  	[tilespmem:s31+$0xFFFFFFF0] =	vst v28;
	v10 =	vld.idx.msk [tilespmem:v11+s17+$0x0], $0xffff;
	vm1 =	vgt.f32 v12, v9;
	v9 =	vsel vm0, $0x1, v0;
	v11 =	vor.u32 v16, v19  }
0x89: {  	s0 =	sadd.s32 $0x40, s30;
	[tilespmem:s31+$0x0] =	vst v30;
	v12 =	vld.idx.msk [tilespmem:v14+s17+$0x0], $0xffff;
	v13 =	vsel vm1, $0x1, v0;
	v9 =	vor.u32 v9, v21  }
0x8a: {  	[tilespmem:s0+$0x10] =	vst v5;
	v5 =	vld.idx.msk [tilespmem:v7+s17+$0x0], $0xffff;
	v7 =	vor.u32 v13, v24  }
0x8b: {  	[tilespmem:s30+$0xFFFFFFE0] =	vst v8;
	v4 =	vld.idx.msk [tilespmem:v4+s17+$0x0], $0xffff  }
0x8c: {  	[tilespmem:s30+$0xFFFFFFF0] =	vst v6;
	v6 =	vld.idx.msk [tilespmem:v15+s17+$0x0], $0xffff  }
0x8d: {  	s2 =	sadd.s32 $0x40, s0;
	[tilespmem:s30+$0x0] =	vst v10;
	v8 =	vld.idx.msk [tilespmem:v11+s17+$0x0], $0xffff  }
0x8e: {  	[tilespmem:s2+$0x10] =	vst v12;
	v9 =	vld.idx.msk [tilespmem:v9+s17+$0x0], $0xffff  }
0x8f: {  	[tilespmem:s0+$0xFFFFFFE0] =	vst v5;
	v5 =	vld.idx.msk [tilespmem:v7+s17+$0x0], $0xffff  }
0x90: {  	[tilespmem:s0+$0xFFFFFFF0] =	vst v4  }
0x91: {  	[tilespmem:s0+$0x0] =	vst v6  }
0x92: {  	s8 =	sadd.s32 $0x4000, s29;
	[tilespmem:s2+$0xFFFFFFE0] =	vst v8  }
0x93: {  	s30 =	sor.u32 s29, s14;
	s0 =	smin.u32 s8, s10;
	[tilespmem:s2+$0xFFFFFFF0] =	vst v9  }
0x94: {  	s0 =	sor.u32 s0, s14;
	[tilespmem:s2+$0x0] =	vst v5;
	s2 =	sadd.s32 s3, s30  }
0x95: {  	[hbm4b:s2+s16] =	stream.strided.scatter [tilespmem:s21], [sflag:$0x3], $0x2000, s18, s16, $0x38;
	[tilespmem:$0x8180] =	vst v63  }
0x96: {  	s0 =	sadd.s32 s1, s0  }
0x97: {  	[tilespmem:s19], [sflag:$0x1] =	stream.strided.gather [hbm4b:s0+s16], $0x2000, s18, s16, $0x38;
	[tilespmem:$0x8180] =	vst v63  }
0x98: {  	_ =	swait.ge [sflag:s22], $0x2000  }
0x99: {  	[sflag:s22] =	ssyncset.done $0x0  }
0x9a: {  	s0 =	simm.s32 @!p0 $0x4;
	[sflag:s22] =	ssyncadd.s32 $0xFFFFE000  }
0x9b: {  	_ =	swait.ge @!p0 [sflag:s0], $0x2000  }
0x9c: {  	[sflag:s0] =	ssyncset.done @!p0 $0x0  }
0x9d: {  	s2 =	simm.s32 $0x21A0;
	[sflag:s0] =	ssyncadd.s32 @!p0 $0xFFFFE000  }
0x9e: {  	v7 =	vld [tilespmem:s2+$0x10];
	_ =	sdelay $0x1  }
0x9f: {  	v19 =	vld [tilespmem:s2+$0x0]  }
0xa0: {  	v11 =	vld [tilespmem:s2+$0xFFFFFFE0]  }
0xa1: {  	v15 =	vld [tilespmem:s2+$0xFFFFFFF0]  }
0xa2: {  	vm0 =	vgt.f32 v7, v1  }
0xa3: {  	v4 =	vsel vm0, $0x8, v0;
	v5 =	vsel vm0, v2, v3  }
0xa4: {  	vm0 =	vgt.f32 v7, v5;
	v5 =	vor.u32 $0x4, v4  }
0xa5: {  	vm1 =	vgt.f32 v19, v1;
	vm2 =	vgt.f32 v11, v1;
	v8 =	vsel vm0, v5, v4  }
0xa6: {  	v6 =	vsel vm2, v2, v3;
	v13 =	vsel vm1, v2, v3;
	vm0 =	vgt.f32 v15, v1  }
0xa7: {  	s8 =	simm.s32 $0x21E0;
	v5 =	vsel vm0, $0x8, v0;
	v10 =	vsel vm0, v2, v3;
	vm0 =	vgt.f32 v11, v6  }
0xa8: {  	v12 =	vld [tilespmem:s8+$0x10];
	v6 =	vsel vm1, $0x8, v0;
	vm1 =	vgt.f32 v15, v10;
	v10 =	vor.u32 $0x4, v5  }
0xa9: {  	v10 =	vsel vm1, v10, v5;
	v5 =	vld [tilespmem:s8+$0xFFFFFFE0]  }
0xaa: {  	v4 =	vsel vm2, $0x8, v0;
	v9 =	vld.idx.msk [tilespmem:v8+s16+$0x0], $0xffff  }
0xab: {  	v14 =	vor.u32 $0x4, v4  }
0xac: {  	v14 =	vsel vm0, v14, v4;
	vm0 =	vgt.f32 v19, v13;
	v13 =	vor.u32 $0x4, v6;
	v4 =	vld [tilespmem:s8+$0xFFFFFFF0]  }
0xad: {  	v13 =	vsel vm0, v13, v6;
	v6 =	vld [tilespmem:s8+$0x0]  }
0xae: {  	vm1 =	vgt.f32 v12, v1;
	vm2 =	vgt.f32 v5, v1  }
0xaf: {  	v25 =	vsel vm2, $0x8, v0;
	vm0 =	vgt.f32 v7, v9;
	v9 =	vor.u32 $0x2, v8  }
0xb0: {  	v16 =	vsel vm0, v9, v8;
	v8 =	vsel vm1, $0x8, v0;
	v9 =	vsel vm1, v2, v3  }
0xb1: {  	v26 =	vsel vm2, v2, v3;
	vm0 =	vgt.f32 v12, v9;
	v9 =	vor.u32 $0x4, v8  }
0xb2: {  	v18 =	vld.idx.msk [tilespmem:v14+s16+$0x0], $0xffff;
	vm1 =	vgt.f32 v6, v1;
	v20 =	vsel vm0, v9, v8;
	vm0 =	vgt.f32 v4, v1  }
0xb3: {  	v29 =	vor.u32 $0x4, v25;
	v28 =	vsel vm1, v2, v3;
	v8 =	vld.idx.msk [tilespmem:v10+s16+$0x0], $0xffff;
	v23 =	vsel vm0, $0x8, v0  }
0xb4: {  	v9 =	vld.idx.msk [tilespmem:v13+s16+$0x0], $0xffff;
	v27 =	vsel vm0, v2, v3;
	vm0 =	vgt.f32 v5, v26;
	v26 =	vsel vm1, $0x8, v0  }
0xb5: {  	s2 =	simm.s32 $0x2220;
	v25 =	vsel vm0, v29, v25;
	vm0 =	vgt.f32 v6, v28;
	v28 =	vor.u32 $0x4, v26;
	v24 =	vld.idx.msk [tilespmem:v16+s4+$0x0], $0xffff  }
0xb6: {  	v17 =	vor.u32 $0x2, v14;
	v26 =	vsel vm0, v28, v26;
	v28 =	vld [tilespmem:s2+$0x10]  }
0xb7: {  	v21 =	vor.u32 $0x2, v10;
	vm1 =	vgt.f32 v4, v27;
	v27 =	vor.u32 $0x4, v23  }
0xb8: {  	v22 =	vor.u32 $0x2, v13;
	v23 =	vsel vm1, v27, v23;
	vm0 =	vgt.f32 v11, v18;
	v30 =	vld.idx.msk [tilespmem:v20+s16+$0x0], $0xffff  }
0xb9: {  	v18 =	vor.u32 $0x2, v25;
	v29 =	vor.u32 $0x2, v26;
	vm1 =	vgt.f32 v15, v8;
	v8 =	vld [tilespmem:s2+$0x0]  }
0xba: {  	v31 =	vsel vm0, v17, v14;
	vm2 =	vgt.f32 v19, v9;
	v9 =	vld [tilespmem:s2+$0xFFFFFFE0];
	v21 =	vsel vm1, v21, v10  }
0xbb: {  	v22 =	vsel vm2, v22, v13;
	vm3 =	vgt.f32 v7, v24;
	vm0 =	vgt.f32 v28, v1  }
0xbc: {  	v7 =	vld [tilespmem:s2+$0xFFFFFFF0];
	v24 =	vor.u32 $0x2, v23;
	v27 =	vsel vm3, $0x1, v0;
	v13 =	vsel vm0, $0x8, v0  }
0xbd: {  	vm3 =	vgt.f32 v12, v30;
	v30 =	vor.u32 $0x2, v20;
	v27 =	vor.u32 v27, v16  }
0xbe: {  	v10 =	vld.idx.msk [tilespmem:v25+s16+$0x0], $0xffff;
	v16 =	vsel vm0, v2, v3;
	vm0 =	vgt.f32 v8, v1;
	v14 =	vsel vm3, v30, v20  }
0xbf: {  	v51 =	vld.idx.msk [tilespmem:v31+s4+$0x0], $0xffff;
	vm2 =	vgt.f32 v28, v16;
	v16 =	vor.u32 $0x4, v13;
	vm3 =	vgt.f32 v9, v1  }
0xc0: {  	v20 =	vld.idx.msk [tilespmem:v23+s16+$0x0], $0xffff;
	v49 =	vsel vm0, $0x8, v0;
	v50 =	vsel vm0, v2, v3;
	v46 =	vsel vm2, v16, v13  }
0xc1: {  	v30 =	vld.idx.msk [tilespmem:v26+s16+$0x0], $0xffff;
	v16 =	vsel vm3, $0x8, v0;
	v47 =	vsel vm3, v2, v3;
	vm1 =	vgt.f32 v7, v1  }
0xc2: {  	v54 =	vld.idx.msk [tilespmem:v21+s4+$0x0], $0xffff;
	v55 =	vor.u32 $0x4, v49;
	v52 =	vor.u32 $0x4, v16;
	v48 =	vsel vm1, v2, v3  }
0xc3: {  	v17 =	vsel vm1, $0x8, v0;
	vm1 =	vgt.f32 v9, v47;
	vm0 =	vgt.f32 v7, v48;
	v13 =	vld.idx.msk [tilespmem:v14+s4+$0x0], $0xffff  }
0xc4: {  	v53 =	vor.u32 $0x4, v17;
	v37 =	vsel vm1, v52, v16;
	vm1 =	vgt.f32 v8, v50  }
0xc5: {  	v16 =	vsel vm0, v53, v17;
	v17 =	vsel vm1, v55, v49;
	vm0 =	vgt.f32 v5, v10;
	v56 =	vld.idx.msk [tilespmem:v46+s16+$0x0], $0xffff  }
0xc6: {  	s8 =	simm.s32 $0x2260;
	v57 =	vld.idx.msk [tilespmem:v22+s4+$0x0], $0xffff;
	vm1 =	vgt.f32 v4, v20;
	vm2 =	vgt.f32 v6, v30;
	v39 =	vor.u32 $0x2, v37  }
0xc7: {  	v10 =	vld [tilespmem:s8+$0x10];
	v18 =	vsel vm0, v18, v25;
	vm0 =	vgt.f32 v11, v51;
	v11 =	vsel vm1, v24, v23  }
0xc8: {  	v23 =	vsel vm0, $0x1, v0;
	vm0 =	vgt.f32 v15, v54;
	v15 =	vld [tilespmem:s8+$0xFFFFFFE0];
	vm3 =	vgt.f32 v12, v13  }
0xc9: {  	v20 =	vor.u32 $0x2, v16;
	v24 =	vor.u32 $0x2, v46;
	v12 =	vsel vm3, $0x1, v0  }
0xca: {  	v35 =	vor.u32 $0x2, v17;
	v30 =	vld.idx.msk [tilespmem:v37+s16+$0x0], $0xffff;
	vm1 =	vgt.f32 v28, v56;
	v25 =	vor.u32 v12, v14  }
0xcb: {  	v13 =	vld [tilespmem:s8+$0xFFFFFFF0];
	v14 =	vsel vm2, v29, v26;
	vm2 =	vgt.f32 v19, v57;
	v19 =	vsel vm0, $0x1, v0  }
0xcc: {  	v12 =	vld [tilespmem:s8+$0x0];
	v58 =	vsel vm1, v24, v46;
	v24 =	vor.u32 v23, v31;
	vm0 =	vgt.f32 v10, v1  }
0xcd: {  	v59 =	vld.idx.msk [tilespmem:v16+s16+$0x0], $0xffff;
	vm3 =	vgt.f32 v15, v1;
	v23 =	vsel vm2, $0x1, v0;
	v21 =	vor.u32 v19, v21  }
0xce: {  	v40 =	vld.idx.msk [tilespmem:v17+s16+$0x0], $0xffff;
	v19 =	vsel vm0, $0x8, v0;
	v22 =	vor.u32 v23, v22;
	v23 =	vsel vm0, v2, v3  }
0xcf: {  	v26 =	vld.idx.msk [tilespmem:v27+s17+$0x0], $0xffff;
	v27 =	vsel vm3, $0x8, v0;
	vm2 =	vgt.f32 v10, v23;
	v23 =	vor.u32 $0x4, v19  }
0xd0: {  	v32 =	vld.idx.msk [tilespmem:v11+s4+$0x0], $0xffff;
	vm1 =	vgt.f32 v13, v1;
	v23 =	vsel vm2, v23, v19;
	v19 =	vsel vm3, v2, v3  }
0xd1: {  	v60 =	vsel vm1, v2, v3;
	vm2 =	vgt.f32 v9, v30;
	vm0 =	vgt.f32 v12, v1;
	v41 =	vld.idx.msk [tilespmem:v58+s4+$0x0], $0xffff  }
0xd2: {  	v29 =	vld.idx.msk [tilespmem:v25+s17+$0x0], $0xffff;
	v25 =	vsel vm1, $0x8, v0;
	vm1 =	vgt.f32 v15, v19;
	v19 =	vor.u32 $0x4, v27  }
0xd3: {  	v31 =	vld.idx.msk [tilespmem:v18+s4+$0x0], $0xffff;
	v61 =	vsel vm0, $0x8, v0;
	v62 =	vsel vm0, v2, v3;
	vm0 =	vgt.f32 v13, v60  }
0xd4: {  	v33 =	vld.idx.msk [tilespmem:v14+s4+$0x0], $0xffff;
	v42 =	vor.u32 $0x4, v25;
	v19 =	vsel vm1, v19, v27;
	vm1 =	vgt.f32 v12, v62  }
0xd5: {  	v27 =	vld.idx.msk [tilespmem:v24+s17+$0x0], $0xffff;
	v43 =	vor.u32 $0x4, v61;
	v25 =	vsel vm0, v42, v25;
	vm0 =	vgt.f32 v7, v59  }
0xd6: {  	s2 =	simm.s32 $0x61A0;
	v24 =	vsel vm1, v43, v61;
	vm1 =	vgt.f32 v8, v40;
	v36 =	vld.idx.msk [tilespmem:v23+s16+$0x0], $0xffff;
	vm3 =	vgt.f32 v28, v41  }
0xd7: {  	s31 =	simm.s32 $0x61E0;
	[tilespmem:s2+$0x10] =	vst v26;
	v30 =	vor.u32 $0x2, v25;
	v26 =	vor.u32 $0x2, v24;
	v28 =	vld.idx.msk [tilespmem:v21+s17+$0x0], $0xffff;
	v63 =	vsel vm3, $0x1, v0  }
0xd8: {  	s0 =	simm.s32 $0xC;
	s8 =	simm.s32 $0x22A0;
	v21 =	vor.u32 $0x2, v19;
	[tilespmem:s31+$0x10] =	vst v29;
	v29 =	vld.idx.msk [tilespmem:v22+s17+$0x0], $0xffff;
	v22 =	vsel vm2, v39, v37;
	v34 =	vor.u32 v63, v58  }
.LBB2_5:
0xd9: {  	v37 =	vld [tilespmem:s8+$0x10];
	s0 =	sadd.s32 $0x4, s0;
	v16 =	vsel vm0, v20, v16;
	v17 =	vsel vm1, v35, v17;
	vm0 =	vgt.f32 v5, v31;
	v5 =	vmovc v9  }
0xda: {  	vm1 =	vgt.f32 v6, v33;
	v20 =	vld [tilespmem:s8+$0xFFFFFFF0];
	p0 =	slt.u32 s0, $0x1FC;
	v9 =	vsel vm0, $0x1, v0;
	vm0 =	vgt.f32 v4, v32;
	[tilespmem:s2+$0xFFFFFFE0] =	vst v27;
	v4 =	vmovc v7  }
0xdb: {  	v31 =	vor.u32 $0x2, v23;
	v6 =	vmovc v8;
	vm2 =	vgt.f32 v10, v36;
	v7 =	vmovc v13;
	v27 =	vld [tilespmem:s8+$0x0];
	v32 =	vsel vm0, $0x1, v0  }
0xdc: {  	v8 =	vmovc v12;
	v13 =	vsel vm1, $0x1, v0;
	v38 =	vsel vm2, v31, v23;
	v36 =	vor.u32 v9, v18;
	v33 =	vld [tilespmem:s8+$0xFFFFFFE0];
	[tilespmem:s2+$0xFFFFFFF0] =	vst v28  }
0xdd: {  	v28 =	vor.u32 v32, v11;
	v11 =	vmov v16;
	v18 =	vld.idx.msk [tilespmem:v34+s17+$0x0], $0xffff;
	v34 =	vor.u32 v13, v14;
	[tilespmem:s2+$0x0] =	vst v29;
	s2 =	smov.u32 s31  }
0xde: {  	v16 =	vmovc v25;
	v14 =	vmovc v17;
	v9 =	vmov v15;
	v17 =	vmov v24;
	vm0 =	vgt.f32 v37, v1;
	v29 =	vld.idx.msk [tilespmem:v19+s16+$0x0], $0xffff  }
0xdf: {  	vm1 =	vgt.f32 v20, v1;
	v31 =	vsel vm0, $0x8, v0;
	v23 =	vsel vm0, v2, v3;
	v39 =	vld.idx.msk [tilespmem:v25+s16+$0x0], $0xffff;
	v13 =	vmovc v20  }
0xe0: {  	vm0 =	vgt.f32 v27, v1;
	vm2 =	vgt.f32 v37, v23;
	v32 =	vor.u32 $0x4, v31;
	v40 =	vld.idx.msk [tilespmem:v24+s16+$0x0], $0xffff;
	v12 =	vmovc v27  }
0xe1: {  	v24 =	vsel vm1, $0x8, v0;
	vm3 =	vgt.f32 v33, v1;
	v23 =	vsel vm2, v32, v31;
	v41 =	vld.idx.msk [tilespmem:v38+s4+$0x0], $0xffff;
	v15 =	vmovc v33  }
0xe2: {  	s31 =	sadd.s32 $0x40, s31;
	v20 =	vmovc v30;
	v33 =	vsel vm1, v2, v3;
	v25 =	vsel vm3, $0x8, v0;
	v27 =	vsel vm3, v2, v3;
	v31 =	vld.idx.msk [tilespmem:v22+s4+$0x0], $0xffff  }
0xe3: {  	v30 =	vsel vm0, $0x8, v0;
	vm1 =	vgt.f32 v15, v27;
	v27 =	vsel vm0, v2, v3;
	v32 =	vld.idx.msk [tilespmem:v11+s4+$0x0], $0xffff;
	[tilespmem:s31+$0x10] =	vst v18  }
0xe4: {  	v35 =	vmovc v26;
	v43 =	vor.u32 $0x4, v24;
	v42 =	vor.u32 $0x4, v25;
	vm0 =	vgt.f32 v13, v33;
	v18 =	vmovc v22;
	v33 =	vld.idx.msk [tilespmem:v14+s4+$0x0], $0xffff  }
.Ltmp1:
0xe5: {  	v22 =	vor.u32 $0x4, v30;
	v42 =	vsel vm1, v42, v25;
	vm1 =	vgt.f32 v12, v27;
	v27 =	vld.idx.msk [tilespmem:v36+s17+$0x0], $0xffff;
	(pc) =	sbr.rel @p0 .LBB2_5-.Ltmp1, $4  }
0xe6: {  	vm2 =	vgt.f32 v9, v29;
	v25 =	vsel vm0, v43, v24;
	v24 =	vsel vm1, v22, v30;
	v36 =	vld.idx.msk [tilespmem:v23+s16+$0x0], $0xffff  }
0xe7: {  	vm0 =	vgt.f32 v7, v39;
	vm1 =	vgt.f32 v8, v40;
	vm3 =	vgt.f32 v10, v41;
	v28 =	vld.idx.msk [tilespmem:v28+s17+$0x0], $0xffff  }
0xe8: {  	v39 =	vor.u32 $0x2, v42;
	v30 =	vor.u32 $0x2, v25;
	v10 =	vmovc v37;
	v40 =	vsel vm3, $0x1, v0;
	v29 =	vld.idx.msk [tilespmem:v34+s17+$0x0], $0xffff  }
0xe9: {  	s8 =	sadd.s32 $0x40, s8;
	v22 =	vsel vm2, v21, v19;
	v19 =	vmovc v42;
	v26 =	vor.u32 $0x2, v24;
	v21 =	vmovc v39;
	v34 =	vor.u32 v40, v38  }
0xea: {  	_ =	sdelay $0x3  }
0xeb: {  	v37 =	vld.idx.msk [tilespmem:v19+s16+$0x0], $0xffff  }
0xec: {  	v38 =	vld.idx.msk [tilespmem:v25+s16+$0x0], $0xffff  }
0xed: {  	v63 =	vld.idx.msk [tilespmem:v24+s16+$0x0], $0xffff  }
0xee: {  	v16 =	vsel vm0, v20, v16  }
0xef: {  	v62 =	vor.u32 $0x2, v23;
	v17 =	vsel vm1, v35, v17;
	vm2 =	vgt.f32 v10, v36  }
0xf0: {  	v23 =	vsel vm2, v62, v23;
	vm15 =	vgt.f32 v15, v37  }
0xf1: {  	vm4 =	vgt.f32 v13, v38;
	v37 =	vsel vm15, v21, v19  }
0xf2: {  	v40 =	vld.idx.msk [tilespmem:v22+s4+$0x0], $0xffff;
	vm5 =	vgt.f32 v12, v63;
	v39 =	vsel vm4, v30, v25  }
0xf3: {  	vm6 =	vgt.f32 v5, v31;
	v5 =	vld.idx.msk [tilespmem:v16+s4+$0x0], $0xffff;
	v41 =	vsel vm5, v26, v24  }
0xf4: {  	vm7 =	vgt.f32 v4, v32;
	v4 =	vld.idx.msk [tilespmem:v17+s4+$0x0], $0xffff  }
0xf5: {  	v42 =	vsel vm6, $0x1, v0;
	v38 =	vld.idx.msk [tilespmem:v23+s4+$0x0], $0xffff  }
0xf6: {  	vm8 =	vgt.f32 v6, v33;
	v43 =	vsel vm7, $0x1, v0;
	v18 =	vor.u32 v42, v18;
	v44 =	vld.idx.msk [tilespmem:v37+s4+$0x0], $0xffff  }
0xf7: {  	v45 =	vsel vm8, $0x1, v0;
	v6 =	vor.u32 v43, v11;
	vm10 =	vgt.f32 v9, v40;
	v46 =	vld.idx.msk [tilespmem:v39+s4+$0x0], $0xffff  }
0xf8: {  	v47 =	vor.u32 v45, v14;
	v50 =	vsel vm10, $0x1, v0;
	vm11 =	vgt.f32 v7, v5;
	v49 =	vld.idx.msk [tilespmem:v41+s4+$0x0], $0xffff  }
0xf9: {  	v51 =	vor.u32 v50, v22;
	v5 =	vld.idx.msk [tilespmem:v34+s17+$0x0], $0xffff;
	vm12 =	vgt.f32 v8, v4;
	v4 =	vsel vm11, $0x1, v0  }
0xfa: {  	v53 =	vsel vm12, $0x1, v0;
	vm9 =	vgt.f32 v10, v38;
	v4 =	vor.u32 v4, v16  }
0xfb: {  	v52 =	vld.idx.msk [tilespmem:v18+s17+$0x0], $0xffff;
	v54 =	vor.u32 v53, v17;
	v48 =	vsel vm9, $0x1, v0;
	vm13 =	vgt.f32 v15, v44  }
0xfc: {  	[tilespmem:s2+$0xFFFFFFE0] =	vst v27;
	v6 =	vld.idx.msk [tilespmem:v6+s17+$0x0], $0xffff;
	v14 =	vor.u32 v48, v23;
	vm14 =	vgt.f32 v13, v46;
	v55 =	vsel vm13, $0x1, v0  }
0xfd: {  	s0 =	sadd.s32 $0x40, s31;
	[tilespmem:s2+$0xFFFFFFF0] =	vst v28;
	v56 =	vld.idx.msk [tilespmem:v47+s17+$0x0], $0xffff;
	vm15 =	vgt.f32 v12, v49;
	v57 =	vsel vm14, $0x1, v0;
	v58 =	vor.u32 v55, v37  }
0xfe: {  	[tilespmem:s0+$0x10] =	vst v5;
	v5 =	vld.idx.msk [tilespmem:v51+s17+$0x0], $0xffff;
	v60 =	vsel vm15, $0x1, v0;
	v9 =	vor.u32 v57, v39  }
0xff: {  	[tilespmem:s2+$0x0] =	vst v29;
	v4 =	vld.idx.msk [tilespmem:v4+s17+$0x0], $0xffff;
	v61 =	vor.u32 v60, v41  }
0x100: {  	[tilespmem:s31+$0xFFFFFFE0] =	vst v52;
	v62 =	vld.idx.msk [tilespmem:v54+s17+$0x0], $0xffff  }
0x101: {  	[tilespmem:s31+$0xFFFFFFF0] =	vst v6;
	v59 =	vld.idx.msk [tilespmem:v14+s17+$0x0], $0xffff  }
0x102: {  	[tilespmem:s31+$0x0] =	vst v56;
	v63 =	vld.idx.msk [tilespmem:v58+s17+$0x0], $0xffff  }
0x103: {  	[tilespmem:s0+$0xFFFFFFE0] =	vst v5;
	v9 =	vld.idx.msk [tilespmem:v9+s17+$0x0], $0xffff  }
0x104: {  	[tilespmem:s0+$0xFFFFFFF0] =	vst v4;
	v5 =	vld.idx.msk [tilespmem:v61+s17+$0x0], $0xffff  }
0x105: {  	s8 =	sadd.s32 $0x40, s0;
	[tilespmem:s0+$0x0] =	vst v62  }
0x106: {  	[tilespmem:s8+$0x10] =	vst v59  }
0x107: {  	[tilespmem:s8+$0xFFFFFFE0] =	vst v63  }
0x108: {  	s30 =	sadd.s32 s30, s3;
	s28 =	sadd.s32 $0x1, s28;
	[tilespmem:s8+$0xFFFFFFF0] =	vst v9  }
0x109: {  	p0 =	sne.s32 s28, $0x8;
	s0 =	sadd.s32 $0x2000, s30;
	[tilespmem:s8+$0x0] =	vst v5  }
0x10a: {  	[hbm4b:s0+s16] =	stream.strided.scatter [tilespmem:s23], [sflag:$0x4], $0x2000, s18, s16, $0x38;
	[tilespmem:$0x8180] =	vst v63  }
.Ltmp2:
0x10b: {  	s31 =	sadd.s32 $0x6000, s29;
	(pc) =	sbr.rel @p0 .LBB2_2-.Ltmp2, $4  }
0x10c: {  	s0 =	smin.u32 s31, s10  }
0x10d: {  	s0 =	sor.u32 s0, s14  }
0x10e: {  	s0 =	sadd.s32 s1, s0  }
0x10f: {  	[tilespmem:s20], [sflag:$0x2] =	stream.strided.gather [hbm4b:s0+s16], $0x2000, s18, s16, $0x38;
	[tilespmem:$0x8180] =	vst v63  }
0x110: {  	_ =	swait.ge [sflag:s5], $0x2000  }
0x111: {  	[sflag:s5] =	ssyncset.done $0x0  }
0x112: {  	[sflag:s5] =	ssyncadd.s32 $0xFFFFE000  }
0x113: {  	_ =	swait.ge [sflag:s22], $0x2000  }
0x114: {  	[sflag:s22] =	ssyncset.done $0x0  }
0x115: {  	s26 =	sadd.s32 $0x1, s26;
	[sflag:s22] =	ssyncadd.s32 $0xFFFFE000  }
0x116: {  	p0 =	sne.s32 s26, s13;
	_ =	swait.ge [sflag:s24], $0x2000  }
.Ltmp3:
0x117: {  	[sflag:s24] =	ssyncset.done $0x0;
	(pc) =	sbr.rel @p0 .LBB2_1-.Ltmp3, $4  }
0x118: {  	[sflag:s24] =	ssyncadd.s32 $0xFFFFE000  }
0x119: {  	_ =	swait.ge [sflag:s25], $0x2000  }
0x11a: {  	[sflag:s25] =	ssyncset.done $0x0  }
0x11b: {  	[sflag:s25] =	ssyncadd.s32 $0xFFFFE000  }
0x11c: {  	_ =	sfence.sel $0x180000  }
0x11d: {  	[bflag:$0x0] =	sbarrier.arrive $0xFFFF  }
0x11e: {  	_ =	strace $0x90000047  }
0x11f: {  	s0 =	stileid.u32;
	[bflag:$0x2] =	sbarrier.arrive $0xFFFF  }
0x120: {  	p0 =	sne.s32 s0, $0x0;
	s0 =	rddreg [dreg:$0x3]  }
0x121: {  	s0 =	sadd.s32 @!p0 $0x100000, s0  }
0x122: {  	[sflag:s0] =	ssyncadd.tile.s32 @!p0 $0x1;
	_ =	shalt  }
.Lfunc_end2:
_tile_overlayer_lowered:
.L_overlay_start_2:
0x123: {  	(tag) =	ssettag $0x2  }
0x124: {  	s0 =	rddreg [dreg:$0x0];
	s2 =	stileid.u32  }
0x125: {  	s1 =	rddreg [dreg:$0x1];
	p0 =	sne.s32 s2, $0x0  }
0x126: {  	s3 =	rddreg [dreg:$0x2];
	[bflag:$0x3] =	sbarrier.arrive $0xFFFF;
	s2 =	simm.s32 @!p0 $0x1C05  }
0x127: {  	[timem:s3], [sflag:s2] =	dma.local @!p0 [hbm:s0], s1  }
0x128: {  	s0 =	simm.s32 @!p0 $0x5  }
0x129: {  	_ =	swait.ge @!p0 [sflag:s0], s1  }
0x12a: {  	s1 =	ssub.s32 @!p0 $0x0, s1;
	[sflag:s0] =	ssyncset.done @!p0 $0x0  }
0x12b: {  	[sflag:s0] =	ssyncadd.s32 @!p0 s1  }
0x12c: {  	[bflag:$0x3] =	sbarrier.arrive $0xFFFF  }
0x12d: {  	_ =	shalt  }

</sc_bundles>
